<compile_context>
chip_gen: v7x
topology: tpu7x:2x2x1
jax: 0.10.2.dev20260603
libtpu: 0.0.44.dev20260713+nightly
codegen_flags: <defaults>
</compile_context>

<pallas_src>
import functools

import jax
import jax.numpy as jnp
from jax.experimental import pallas as pl
from jax.experimental.pallas import tpu as pltpu

KNN = 20
EPS = 1e-5


def _knn_idx(x, k):
    xx = jnp.sum(x * x, axis=1)
    inner = jnp.einsum('bdn,bdm->bnm', x, x)
    neg_dist = 2.0 * inner - xx[:, :, None] - xx[:, None, :]
    _, idx = jax.lax.top_k(neg_dist, k)
    return idx


def _graph_feature(x, idx):
    xt = jnp.transpose(x, (0, 2, 1))
    nbrs = jax.vmap(lambda xb, ib: xb[ib])(xt, idx)
    center = xt[:, :, None, :]
    return jnp.concatenate([nbrs - center, jnp.broadcast_to(center, nbrs.shape)], axis=-1)


def _conv_bn_lrelu(y, W, g, b):
    y = jnp.einsum('...c,oc->...o', y, W)
    axes = tuple(range(y.ndim - 1))
    mu = jnp.mean(y, axis=axes, keepdims=True)
    var = jnp.var(y, axis=axes, keepdims=True)
    y = (y - mu) / jnp.sqrt(var + EPS)
    y = y * g + b
    return jnp.where(y > 0, y, 0.2 * y)


def _edge_conv(x, W, g, b):
    idx = _knn_idx(x, KNN)
    feat = _graph_feature(x, idx)
    y = _conv_bn_lrelu(feat, W, g, b)
    y = jnp.max(y, axis=2)
    return jnp.transpose(y, (0, 2, 1))


def _multi_edge_conv(x, layers):
    idx = _knn_idx(x, KNN)
    feat = _graph_feature(x, idx)
    for (W, g, b) in layers:
        feat = _conv_bn_lrelu(feat, W, g, b)
    y = jnp.max(feat, axis=2)
    return jnp.transpose(y, (0, 2, 1))


def _encoder(x, p):
    x1 = _multi_edge_conv(x, [(p['enc0_W0'], p['enc0_g0'], p['enc0_b0']),
                              (p['enc0_W1'], p['enc0_g1'], p['enc0_b1'])])
    x2 = _multi_edge_conv(x1, [(p['enc1_W0'], p['enc1_g0'], p['enc1_b0']),
                               (p['enc1_W1'], p['enc1_g1'], p['enc1_b1'])])
    x3 = _edge_conv(x2, p['enc2_W'], p['enc2_g'], p['enc2_b'])
    x4 = _edge_conv(x3, p['enc3_W'], p['enc3_g'], p['enc3_b'])
    return jnp.concatenate([x1, x2, x3, x4], axis=1)


def _tail(x, p):
    y = jnp.einsum('bcn,oc->bon', x, p['tail_W'])
    mu = jnp.mean(y, axis=(0, 2), keepdims=True)
    var = jnp.var(y, axis=(0, 2), keepdims=True)
    y = (y - mu) / jnp.sqrt(var + EPS)
    y = y * p['tail_g'][None, :, None] + p['tail_b'][None, :, None]
    return jnp.where(y > 0, y, 0.2 * y)


def _final_proj_body(z_ref, w_ref, bias_ref, out_ref):
    z = z_ref[0]
    w = w_ref[...]
    out_ref[0] = jnp.dot(w, z, preferred_element_type=jnp.float32) \
        + bias_ref[...][:, None]


def _final_proj(z, W, bias):
    B, C, N = z.shape
    O = W.shape[0]
    return pl.pallas_call(
        _final_proj_body,
        grid=(B,),
        in_specs=[
            pl.BlockSpec((1, C, N), lambda b: (b, 0, 0)),
            pl.BlockSpec((O, C), lambda b: (0, 0)),
            pl.BlockSpec((O,), lambda b: (0,)),
        ],
        out_specs=pl.BlockSpec((1, O, N), lambda b: (b, 0, 0)),
        out_shape=jax.ShapeDtypeStruct((B, O, N), jnp.float32),
    )(z, W, bias)


def kernel(x, y, params):
    p = params
    x1 = _tail(_encoder(x, p), p)
    x2 = _tail(_encoder(y, p), p)
    z = jnp.concatenate([x1, x2], axis=1)
    z = _edge_conv(z, p['dec0_W'], p['dec0_g'], p['dec0_b'])
    z = _edge_conv(z, p['dec1_W'], p['dec1_g'], p['dec1_b'])
    return _final_proj(z, p['dec2_W'], p['dec2_bias'])

# --- scband reference (transcript-rebuilt; emitter-appended) ---
"""Pipeline reference for scband-backbone-33827162423740 (READ-ONLY COPY).

The authoritative reference and input builder live on the scoring server;
editing this copy changes nothing except your own understanding.
"""

import jax, jax.numpy as jnp
import numpy as np

K = 20
EPS = 1e-5

def knn_idx(x, k):
    # x: [B, d, N] -> idx [B, N, k]
    xx = jnp.sum(x * x, axis=1)
    inner = jnp.einsum('bdn,bdm->bnm', x, x)
    neg_dist = 2.0 * inner - xx[:, :, None] - xx[:, None, :]
    _, idx = jax.lax.top_k(neg_dist, k)
    return idx

def graph_feature(x, idx):
    # x: [B, d, N], idx: [B, N, k] -> [B, N, k, 2d]
    xt = jnp.transpose(x, (0, 2, 1))
    nbrs = jax.vmap(lambda xb, ib: xb[ib])(xt, idx)
    center = xt[:, :, None, :]
    return jnp.concatenate([nbrs - center, jnp.broadcast_to(center, nbrs.shape)], axis=-1)

def conv_bn_lrelu(y, W, g, b):
    y = jnp.einsum('...c,oc->...o', y, W)
    axes = tuple(range(y.ndim - 1))
    mu = jnp.mean(y, axis=axes, keepdims=True)
    var = jnp.var(y, axis=axes, keepdims=True)
    y = (y - mu) / jnp.sqrt(var + EPS)
    y = y * g + b
    return jnp.where(y > 0, y, 0.2 * y)

def edge_conv(x, W, g, b):
    idx = knn_idx(x, K)
    feat = graph_feature(x, idx)
    y = conv_bn_lrelu(feat, W, g, b)
    y = jnp.max(y, axis=2)
    return jnp.transpose(y, (0, 2, 1))

def multi_edge_conv(x, layers):
    idx = knn_idx(x, K)
    feat = graph_feature(x, idx)
    for (W, g, b) in layers:
        feat = conv_bn_lrelu(feat, W, g, b)
    y = jnp.max(feat, axis=2)
    return jnp.transpose(y, (0, 2, 1))

def encoder_fn(x, p):
    x1 = multi_edge_conv(x, [(p['enc0_W0'], p['enc0_g0'], p['enc0_b0']),
                             (p['enc0_W1'], p['enc0_g1'], p['enc0_b1'])])
    x2 = multi_edge_conv(x1, [(p['enc1_W0'], p['enc1_g0'], p['enc1_b0']),
                              (p['enc1_W1'], p['enc1_g1'], p['enc1_b1'])])
    x3 = edge_conv(x2, p['enc2_W'], p['enc2_g'], p['enc2_b'])
    x4 = edge_conv(x3, p['enc3_W'], p['enc3_g'], p['enc3_b'])
    return jnp.concatenate([x1, x2, x3, x4], axis=1)

def tail_fn(x, p):
    y = jnp.einsum('bcn,oc->bon', x, p['tail_W'])
    mu = jnp.mean(y, axis=(0, 2), keepdims=True)
    var = jnp.var(y, axis=(0, 2), keepdims=True)
    y = (y - mu) / jnp.sqrt(var + EPS)
    y = y * p['tail_g'][None, :, None] + p['tail_b'][None, :, None]
    return jnp.where(y > 0, y, 0.2 * y)

def backbone_fn(x, y, p):
    x1 = tail_fn(encoder_fn(x, p), p)
    x2 = tail_fn(encoder_fn(y, p), p)
    z = jnp.concatenate([x1, x2], axis=1)
    z = edge_conv(z, p['dec0_W'], p['dec0_g'], p['dec0_b'])
    z = edge_conv(z, p['dec1_W'], p['dec1_g'], p['dec1_b'])
    return jnp.einsum('bcn,oc->bon', z, p['dec2_W']) + p['dec2_bias'][None, :, None]

def setup_inputs(seed: int = 0):
    key = jax.random.key(seed)
    ks = jax.random.split(key, 16)
    B, N = 4, 2048
    def w(k, o, i):
        return (jax.random.normal(k, (o, i), dtype=jnp.float32) / np.sqrt(i)).astype(jnp.float32)
    params = {
        'enc0_W0': w(ks[0], 64, 6),   'enc0_g0': jnp.ones((64,), jnp.float32), 'enc0_b0': jnp.zeros((64,), jnp.float32),
        'enc0_W1': w(ks[1], 64, 64),  'enc0_g1': jnp.ones((64,), jnp.float32), 'enc0_b1': jnp.zeros((64,), jnp.float32),
        'enc1_W0': w(ks[2], 64, 128), 'enc1_g0': jnp.ones((64,), jnp.float32), 'enc1_b0': jnp.zeros((64,), jnp.float32),
        'enc1_W1': w(ks[3], 64, 64),  'enc1_g1': jnp.ones((64,), jnp.float32), 'enc1_b1': jnp.zeros((64,), jnp.float32),
        'enc2_W': w(ks[4], 64, 128),  'enc2_g': jnp.ones((64,), jnp.float32),  'enc2_b': jnp.zeros((64,), jnp.float32),
        'enc3_W': w(ks[5], 64, 128),  'enc3_g': jnp.ones((64,), jnp.float32),  'enc3_b': jnp.zeros((64,), jnp.float32),
        'tail_W': w(ks[6], 128, 256), 'tail_g': jnp.ones((128,), jnp.float32), 'tail_b': jnp.zeros((128,), jnp.float32),
        'dec0_W': w(ks[7], 128, 512), 'dec0_g': jnp.ones((128,), jnp.float32), 'dec0_b': jnp.zeros((128,), jnp.float32),
        'dec1_W': w(ks[8], 64, 256),  'dec1_g': jnp.ones((64,), jnp.float32),  'dec1_b': jnp.zeros((64,), jnp.float32),
        'dec2_W': w(ks[9], 3, 64),    'dec2_bias': jnp.zeros((3,), jnp.float32),
    }
    return {
        'x': jax.random.normal(ks[10], (B, 3, N), dtype=jnp.float32),
        'y': jax.random.normal(ks[11], (B, 3, N), dtype=jnp.float32),
        'params': params,
    }

def reference(x, y, params):
    return backbone_fn(x, y, params)

if __name__ == "__main__":
    import jax
    _d = setup_inputs()
    print(jax.jit(kernel)(*tuple(_d.values())))

</pallas_src>

<mosaic_0001>
module attributes {stable_mosaic.version = 14 : i64} {
  func.func @_final_proj_body(%arg0: i32, %arg1: memref<1x64x2048xf32, #tpu.memory_space<vmem>>, %arg2: memref<3x64xf32, #tpu.memory_space<vmem>>, %arg3: memref<3xf32, #tpu.memory_space<vmem>>, %arg4: memref<1x3x2048xf32, #tpu.memory_space<vmem>>) attributes {dimension_semantics = [#tpu.dimension_semantics<arbitrary>], iteration_bounds = array<i64: 4>, scalar_prefetch = 0 : i64, scratch_operands = 0 : i64, tpu.core_type = #tpu.core_type<tc>, window_params = [{transform_indices = @transform_0, window_bounds = array<i64: 1, 64, 2048>}, {pipeline_mode = #tpu.pipeline_mode<synchronous>, transform_indices = @transform_1, window_bounds = array<i64: 3, 64>}, {pipeline_mode = #tpu.pipeline_mode<synchronous>, transform_indices = @transform_2, window_bounds = array<i64: 3>}, {transform_indices = @transform_3, window_bounds = array<i64: 1, 3, 2048>}]} {
    %get3A = arith.constant 0 : index
    %get3A_0 = arith.constant 0 : index
    %get3A_1 = arith.constant 0 : index
    %get3A_2 = vector.load %arg1[%get3A, %get3A_0, %get3A_1] : memref<1x64x2048xf32, #tpu.memory_space<vmem>>, vector<1x64x2048xf32>
    %get3A_3 = vector.shape_cast %get3A_2 : vector<1x64x2048xf32> to vector<64x2048xf32>
    %get3A_4 = arith.constant 0 : index
    %get3A_5 = arith.constant 0 : index
    %get3A_6 = vector.load %arg2[%get3A_4, %get3A_5] : memref<3x64xf32, #tpu.memory_space<vmem>>, vector<3x64xf32>
    %dot_general3A = arith.constant dense<0.000000e+00> : vector<3x2048xf32>
    %dot_general3A_7 = tpu.matmul %get3A_6, %get3A_3, %dot_general3A {dimension_numbers = #tpu.dot_dimension_numbers<[1], [0], [0], [1], [0, 0, 1, 1], [], []>, transpose_lhs_hint = false} : vector<3x64xf32>, vector<64x2048xf32>, vector<3x2048xf32> -> vector<3x2048xf32>
    %get3A_8 = arith.constant 0 : index
    %get3A_9 = vector.load %arg3[%get3A_8] : memref<3xf32, #tpu.memory_space<vmem>>, vector<3xf32>
    %broadcast_in_dim3A = vector.shape_cast %get3A_9 : vector<3xf32> to vector<3x1xf32>
    %add3A = vector.broadcast %broadcast_in_dim3A : vector<3x1xf32> to vector<3x2048xf32>
    %add3A_10 = arith.addf %dot_general3A_7, %add3A : vector<3x2048xf32>
    %swap3A = arith.constant 0 : index
    %swap3A_11 = arith.constant 0 : index
    %swap3A_12 = arith.constant 0 : index
    %swap3A_13 = vector.load %arg4[%swap3A, %swap3A_11, %swap3A_12] : memref<1x3x2048xf32, #tpu.memory_space<vmem>>, vector<1x3x2048xf32>
    %swap3A_14 = vector.shape_cast %swap3A_13 : vector<1x3x2048xf32> to vector<3x2048xf32>
    %swap3A_15 = vector.shape_cast %add3A_10 : vector<3x2048xf32> to vector<1x3x2048xf32>
    tpu.vector_store %arg4[%swap3A, %swap3A_11, %swap3A_12], %swap3A_15 {strides = array<i32>} : memref<1x3x2048xf32, #tpu.memory_space<vmem>>, vector<1x3x2048xf32>,
    return
  }
  func.func @transform_0(%arg0: i32) -> (i32, i32, i32) {
    %c0_i32 = arith.constant 0 : i32
    %c0_i32_0 = arith.constant 0 : i32
    %c0_i32_1 = arith.constant 0 : i32
    return %arg0, %c0_i32, %c0_i32_0 : i32, i32, i32
  }
  func.func @transform_1(%arg0: i32) -> (i32, i32) {
    %c0_i32 = arith.constant 0 : i32
    %c0_i32_0 = arith.constant 0 : i32
    %c0_i32_1 = arith.constant 0 : i32
    return %c0_i32, %c0_i32_0 : i32, i32
  }
  func.func @transform_2(%arg0: i32) -> i32 {
    %c0_i32 = arith.constant 0 : i32
    %c0_i32_0 = arith.constant 0 : i32
    return %c0_i32 : i32
  }
  func.func @transform_3(%arg0: i32) -> (i32, i32, i32) {
    %c0_i32 = arith.constant 0 : i32
    %c0_i32_0 = arith.constant 0 : i32
    %c0_i32_1 = arith.constant 0 : i32
    return %arg0, %c0_i32, %c0_i32_0 : i32, i32, i32
  }
}

</mosaic_0001>

<sc_bundles>
// kernel: sparse-core-data-format-call.1.cloned.1.call-start
scs
called_computation.1_lowered:
.L_overlay_start_0:
0x0: {  	s1 =	sld [smem:$0x3FD9]  }
0x1: {  	s2 =	sld [smem:$0x3FFE];
	_ =	sdelay $0x1  }
0x2: {  	s3 =	srdreg.scid  }
0x3: {  	s0 =	sand.u32 $0x1, s3  }
0x4: {  	s17 =	sshll.u32 s0, $0xA;
	s1 =	sadd.s32 s2, s1  }
0x5: {  	s1 =	sadd.s32 s1, s17  }
0x6: {  	[smem:$0x3FA9] =	sst s1  }
0x7: {  	_ = 	snop  }
0x8: {  	(tm) =	ssettm $0x1  }
0x9: {  	s18 =	sld [smem:$0x3FFB];
	_ =	sdelay $0x3  }
0xa: {  	_ =	strace s18  }
0xb: {  	s1 =	sld [smem:$0x3FFC];
	_ =	sdelay $0x3  }
0xc: {  	_ =	strace s1  }
0xd: {  	s1 =	sld [smem:$0x3FFD];
	_ =	sdelay $0x3  }
0xe: {  	_ =	strace s1  }
0xf: {  	_ =	strace $0x8FFFFFFF  }
0x10: {  	s19 =	sld [smem:$0x3FDB];
	_ =	sdelay $0x1  }
0x11: {  	s20 =	simm.s32 $_scs_section_size  }
0x12: {  	s4 =	simm.s32 $_size__tile_overlayer_lowered;
	s5 =	simm.s32 $_tile_overlayer_lowered  }
0x13: {  	s23 =	simm.s32 $0x1BFF;
	s22 =	sshll.u32 s5, $0x1;
	s1 =	sadd.s32 s20, s19  }
0x14: {  	s6 =	simm.s32 $0x0;
	s21 =	sshll.u32 s4, $0x1;
	s4 =	sadd.s32 s22, s1  }
0x15: {  	[timem:s6], [sflag:s23] =	dma.local [hbm:s4], s21  }
0x16: {  	_ =	swait.ge [sflag:s23], s21  }
0x17: {  	s2 =	ssub.s32 $0x0, s21;
	[sflag:s23] =	ssyncset.done $0x0  }
0x18: {  	[sflag:s23] =	ssyncadd.s32 s2;
	_ =	sdelay $0x1  }
0x19: {  	s24 =	simm.s32 $0x1B8B  }
0x1a: {  	_ =	swait.ge [sflag:s24], $0x1  }
0x1b: {  	[sflag:s24] =	ssyncset.done $0x0  }
0x1c: {  	s26 =	simm.s32 $0x1B8E;
	s25 =	sld [smem:$0x3FFE];
	[sflag:s24] =	ssyncadd.s32 $0xFFFFFFFF  }
0x1d: {  	s27 =	simm.s32 $execute0_lowered;
	[smem:$0x3FD2] =	sst s26  }
0x1e: {  	s4 =	sshll.u32 s27, $0x1;
	_ =	strace $0x8000005E;
	[dreg:$0x1] =	wrdreg $0xFFFFFFFF  }
0x1f: {  	s28 =	simm.s32 $_size_execute0_lowered;
	s1 =	sadd.s32 s1, s4;
	[dreg:$0x0] =	wrdreg $0x0  }
0x20: {  	s4 =	sshll.u32 s28, $0x1;
	[dreg:$0x2] =	wrdreg s1  }
0x21: {  	[dreg:$0x3] =	wrdreg s4  }
0x22: {  	[dreg:$0x4] =	wrdreg $0xC0  }
0x23: {  	_ =	task [dreg:s6], $0x5FFFF  }
0x24: {  	[dreg:$0x1] =	wrdreg $0xFFFFFFFF  }
0x25: {  	[dreg:$0x0] =	wrdreg $0x60  }
0x26: {  	[dreg:$0x2] =	wrdreg s25  }
0x27: {  	[dreg:$0x3] =	wrdreg $0x9  }
0x28: {  	_ =	task.clear_ibuf [dreg:s6], $0x4FFFF;
	_ =	strace $0x9000005E  }
0x29: {  	s29 =	simm.s32 $0x9;
	_ =	strace $0x80000060  }
0x2a: {  	_ =	swait.ge [sflag:s29], $0x1  }
0x2b: {  	[sflag:s29] =	ssyncadd.s32 $0xFFFFFFFF  }
0x2c: {  	_ =	strace $0x90000060  }
0x2d: {  	_ =	sfence  }
0x2e: {  	s30 =	sld [smem:$0x0];
	_ =	sdelay $0x2  }
0x2f: {  	s31 =	sshll.u32 s3, $0xD;
	s3 =	sshrl.u32 s3, $0x2  }
0x30: {  	s2 =	sand.u32 $0x4000, s31;
	s1 =	sadd.s32 s3, s30  }
0x31: {  	s0 =	sor.u32 s2, s0;
	s1 =	sshll.u32 s1, $0x11  }
0x32: {  	s0 =	sor.u32 s1, s0  }
0x33: {  	s0 =	sadd.s32 $0x8F2B, s0  }
0x34: {  	[sflag:s0] =	ssyncadd.remote.s32 $0x1  }
0x35: {  	_ =	sfence.sel $0xFFFF  }
0x36: {  	[dreg:$0x0] =	wrdreg $0xFFFFFFFF;
	(pc) =	sbr.abs _section_cstart, $3  }
0x37: {  	[dreg:$0x1] =	wrdreg $0xFFFFFFFF  }
0x38: {  	_ =	task.clear_ibuf [dreg:s6], $0x2FFFF;
	_ =	strace $0x9FFFFFFF  }
0x39: {  	(tm) =	ssettm $0x7FFFFFFF  }
tec
execute0_lowered:
.L_overlay_start_1:
0x0: {  	(tag) =	ssettag $0x1  }
0x1: {  	s0 =	stileid.u32;
	s1 =	srdreg.scid  }
0x2: {  	s4 =	rddreg [dreg:$0x0];
	s7 =	simm.s32 $0x1;
	s31 =	simm.s32 $0x2  }
0x3: {  	s16 =	simm.s32 $0x0;
	s2 =	sshll.u32 s0, $0x5;
	s1 =	sshll.u32 s1, $0x9  }
0x4: {  	s9 =	simm.s32 $0x4000;
	s14 =	simm.s32 $0x0;
	s1 =	sor.u32 s2, s1  }
0x5: {  	s15 =	simm.s32 $0x0;
	s10 =	simm.s32 $0x0;
	s2 =	sand.u32 $0x380, s1  }
0x6: {  	s13 =	simm.s32 $0x0;
	s3 =	sadd.s32 $0x242000, s4;
	s5 =	ssub.s32 $0x800, s2  }
0x7: {  	s4 =	sadd.s32 $0x442000, s4;
	s1 =	rddreg [dreg:$0x1];
	s6 =	sand.u32 $0x380, s5  }
.Ltmp0:
0x8: {  	_ =	strace $0x8000005F;
	p0 =	sne.s32 s6, $0x0;
	(pc) =	sbr.rel .LBB1_1-.Ltmp0, $4  }
0x9: {  	s11 =	smov.u32 s2;
	s8 =	sshrl.u32 s5, $0xA;
	s7 =	simm.s32 @!p0 $0x0  }
0xa: {  	s5 =	sand.u32 $0x3, s0;
	s6 =	simm.s32 $0x1;
	s7 =	sadd.s32 s7, s8  }
0xb: {  	s12 =	smov.u32 s5;
	[sflag:s6] =	ssyncpa.u1 $0x0;
	s7 =	sshll.u32 s7, $0x4  }
0xc: {  	p0 =	por $0x0, $0x0;
	[sflag:s31] =	ssyncpa.u1 $0x0;
	s8 =	sor.u32 $0x1, s7  }
.LBB1_4:
0xd: {  	v5 =	vld [tilespmem:s19+$0xFFFFFFD0]  }
0xe: {  	[tilespmem:s20+$0x2040 ss:$0x81] =	vst.msk $0xffff, v1;
	v58 =	vld [tilespmem:s19+$0xFFFFFFE0]  }
0xf: {  	[tilespmem:s20+$0x2850 ss:$0x81] =	vst.msk $0xffff, v2;
	v59 =	vld [tilespmem:s19+$0xFFFFFFF0]  }
0x10: {  	s21 =	sshra.s32 s21, $0x2;
	[tilespmem:s20+$0x3060 ss:$0x81] =	vst.msk $0xffff, v3;
	v60 =	vld [tilespmem:s19+$0x0]  }
0x11: {  	[tilespmem:s20+$0x0 ss:$0x81] =	vst.msk $0xffff, v0;
	v61 =	vld [tilespmem:s19+$0x10];
	s18 =	sadd.s32 s21, s18  }
0x12: {  	s26 =	sshll.u32 s16, $0xB;
	v62 =	vld [tilespmem:s19+$0x20];
	[tilespmem:s18+$0x3870 ss:$0x81] =	vst.msk $0xffff, v4  }
0x13: {  	s27 =	sand.u32 $0x78, s14;
	s22 =	sshll.u32 s14, $0x3;
	v63 =	vld [tilespmem:s19+$0xFFFFFFC0];
	s29 =	sshll.u32 s16, $0x7;
	[tilespmem:s18+$0x810 ss:$0x81] =	vst.msk $0xffff, v5  }
0x14: {  	s15 =	sshll.u32 s15, $0x13;
	s20 =	sand.u32 $0x3FC000, s26;
	s28 =	sand.u32 $0x3FFC00, s22;
	[tilespmem:s18+$0x1020 ss:$0x81] =	vst.msk $0xffff, v58  }
0x15: {  	s31 =	sand.u32 $0x7, s14;
	s22 =	sand.u32 $0x400, s22;
	s19 =	sadd.s32 s28, s20;
	[tilespmem:s18+$0x1830 ss:$0x81] =	vst.msk $0xffff, v59  }
0x16: {  	s16 =	sand.u32 $0x380, s29;
	s30 =	sor.u32 s27, s22;
	s19 =	sshrl.u32 s19, $0x3;
	[tilespmem:s18+$0x2040 ss:$0x81] =	vst.msk $0xffff, v60  }
0x17: {  	s15 =	sadd.s32 s4, s15;
	s16 =	sor.u32 s16, s30;
	s19 =	sand.u32 $0x7FF00, s19;
	[tilespmem:s18+$0x2850 ss:$0x81] =	vst.msk $0xffff, v61  }
0x18: {  	s14 =	sshll.u32 s31, $0x12;
	s16 =	sshrl.u32 s16, $0x3;
	[tilespmem:s18+$0x3060 ss:$0x81] =	vst.msk $0xffff, v62;
	s15 =	sadd.s32 s19, s15  }
0x19: {  	s14 =	sor.u32 $0x400, s14;
	[tilespmem:s18+$0x0 ss:$0x81] =	vst.msk $0xffff, v63;
	s15 =	sadd.s32 s16, s15  }
0x1a: {  	[hbm4b:s15+s14] =	stream.strided.scatter [tilespmem:s17], [sflag:$0x2], $0x4000, s9, s14, $0x20;
	[tilespmem:$0x10100] =	vst v63  }
.LBB1_5:
0x1b: {  	s17 =	sadd.s32 $0x80, s10  }
0x1c: {  	s14 =	sadd.s32 $0x400, s11;
	s18 =	smov.u32 s11;
	p2 =	sgt.s32 s17, $0x7FF  }
0x1d: {  	s18 =	smov.u32 @p2 s14  }
0x1e: {  	s20 =	smov.u32 s12;
	s14 =	sadd.s32 $0x4, s12;
	p3 =	sgt.s32 s18, $0x7FF  }
0x1f: {  	s20 =	smov.u32 @p3 s14  }
0x20: {  	s17 =	simm.s32 @p2 $0x0;
	p2 =	sgt.s32 s20, $0x3  }
0x21: {  	p1 =	slt.u32 s13, $0x2;
	s20 =	smov.u32 @p2 s5;
	p2 =	sne.s32 s13, s8  }
.Ltmp1:
0x22: {  	s19 =	simm.s32 @!p1 $0x2;
	(pc) =	sbr.rel @!p2 .LBB1_6-.Ltmp1, $4  }
0x23: {  	s16 =	smov.u32 s10;
	s15 =	smov.u32 s12;
	_ =	swait.ge @!p1 [sflag:s19], $0x4000  }
0x24: {  	p0 =	por !p0, !p0;
	[sflag:s19] =	ssyncset.done @!p1 $0x0;
	s10 =	smov.u32 s17  }
0x25: {  	s18 =	smov.u32 @p3 s2;
	s14 =	smov.u32 s11;
	[sflag:s19] =	ssyncadd.s32 @!p1 $0xFFFFC000  }
0x26: {  	s11 =	smov.u32 s18;
	s13 =	sadd.s32 $0x1, s13;
	s12 =	smov.u32 s20  }
.LBB1_1:
0x27: {  	p1 =	sge.u32 s13, s7;
	s31 =	sadd.s32 $0xFFFFFFFF, s13  }
0x28: {  	s17 =	sxor.u32 @!p1 $0xFFFFFFFF, s13;
	s18 =	sand.u32 @!p1 $0x78, s10;
	s19 =	sshll.u32 @!p1 s11, $0xB  }
0x29: {  	s20 =	sshll.u32 @!p1 s11, $0x7;
	s21 =	sshll.u32 @!p1 s10, $0x3;
	s17 =	sshll.u32 @!p1 s17, $0xE  }
0x2a: {  	s19 =	sand.u32 @!p1 $0x3FC000, s19;
	s20 =	sand.u32 @!p1 $0x380, s20;
	s17 =	sand.u32 @!p1 $0x4000, s17  }
0x2b: {  	s19 =	sadd.s32 @!p1 s19, s21;
	s21 =	sand.u32 @!p1 $0x400, s21;
	s18 =	sor.u32 @!p1 s20, s18  }
0x2c: {  	s20 =	sshll.u32 @!p1 s12, $0x13;
	s18 =	sor.u32 @!p1 s21, s18;
	s19 =	sshrl.u32 @!p1 s19, $0x3  }
0x2d: {  	s20 =	sadd.s32 @!p1 s3, s20;
	s21 =	sand.u32 @!p1 $0x7, s10;
	s19 =	sand.u32 @!p1 $0x7FF00, s19  }
0x2e: {  	s18 =	sshrl.u32 @!p1 s18, $0x3;
	s19 =	sadd.s32 @!p1 s19, s20;
	s20 =	sshll.u32 @!p1 s21, $0x12  }
0x2f: {  	s18 =	sadd.s32 @!p1 s18, s19;
	s19 =	sor.u32 @!p1 $0x400, s20;
	s20 =	simm.s32 @!p1 $0x4000  }
0x30: {  	[tilespmem:s17], [sflag:$0x1] =	stream.strided.gather @!p1 [hbm4b:s18+s19], $0x4000, s20, s19, $0x38;
	[tilespmem:$0x10100] =	vst v63  }
0x31: {  	p1 =	sge.u32 s31, s7  }
.Ltmp2:
0x32: {  	_ = 	snop;
	(pc) =	sbr.rel @p1 .LBB1_5-.Ltmp2, $1  }
0x33: {  	_ =	sdelay $0x3  }
0x34: {  	s17 =	simm.s32 $0x1  }
0x35: {  	_ =	swait.ge [sflag:s6], $0x4000;
	s17 =	simm.s32 @!p0 $0x0  }
0x36: {  	[sflag:s6] =	ssyncset.done $0x0;
	s18 =	sshll.u32 s17, $0xE  }
0x37: {  	[sflag:s6] =	ssyncadd.s32 $0xFFFFC000;
	s19 =	sor.u32 $0x40, s18  }
0x38: {  	s17 =	smul.u32 $0x10200, s17;
	v0 =	vld [tilespmem:s19+$0x30]  }
0x39: {  	v3 =	vld [tilespmem:s19+$0xFFFFFFD0]  }
0x3a: {  	s17 =	sshrl.u32 s17, $0x2;
	v4 =	vld [tilespmem:s19+$0xFFFFFFE0]  }
0x3b: {  	v5 =	vld [tilespmem:s19+$0xFFFFFFF0];
	s18 =	sor.u32 $0x8000, s17  }
0x3c: {  	s31 =	sand.u32 $0x1, s13;
	v1 =	vld [tilespmem:s19+$0x0];
	s20 =	sadd.s32 $0x0, s18  }
0x3d: {  	v2 =	vld [tilespmem:s19+$0x10];
	s17 =	smul.u32 $0x10200, s31;
	[tilespmem:s20+$0x3870 ss:$0x81] =	vst.msk $0xffff, v0  }
0x3e: {  	[tilespmem:s20+$0x810 ss:$0x81] =	vst.msk $0xffff, v3;
	v3 =	vld [tilespmem:s19+$0x20]  }
0x3f: {  	s17 =	sshrl.u32 s17, $0x2;
	v0 =	vld [tilespmem:s19+$0xFFFFFFC0];
	[tilespmem:s20+$0x1020 ss:$0x81] =	vst.msk $0xffff, v4;
	s19 =	sadd.s32 $0x80, s19  }
0x40: {  	s21 =	simm.s32 $0x4;
	s22 =	simm.s32 $0x8;
	s17 =	sor.u32 $0x8000, s17;
	[tilespmem:s20+$0x1830 ss:$0x81] =	vst.msk $0xffff, v5;
	v4 =	vld [tilespmem:s19+$0x30]  }
.LBB1_3:
0x41: {  	p1 =	sne.s32 s22, $0x1FC;
	v5 =	vld [tilespmem:s19+$0xFFFFFFD0];
	[tilespmem:s20+$0x2040 ss:$0x81] =	vst.msk $0xffff, v1  }
0x42: {  	v6 =	vld [tilespmem:s19+$0xFFFFFFE0];
	[tilespmem:s20+$0x2850 ss:$0x81] =	vst.msk $0xffff, v2  }
0x43: {  	s23 =	sshra.s32 s21, $0x2;
	s21 =	smov.u32 s22;
	v7 =	vld [tilespmem:s19+$0xFFFFFFF0];
	[tilespmem:s20+$0x3060 ss:$0x81] =	vst.msk $0xffff, v3  }
.Ltmp3:
0x44: {  	v1 =	vld [tilespmem:s19+$0x0];
	[tilespmem:s20+$0x0 ss:$0x81] =	vst.msk $0xffff, v0;
	s20 =	sadd.s32 s23, s18;
	(pc) =	sbr.rel @p1 .LBB1_3-.Ltmp3, $4  }
0x45: {  	v2 =	vld [tilespmem:s19+$0x10];
	[tilespmem:s20+$0x3870 ss:$0x81] =	vst.msk $0xffff, v4  }
0x46: {  	[tilespmem:s20+$0x810 ss:$0x81] =	vst.msk $0xffff, v5;
	v3 =	vld [tilespmem:s19+$0x20]  }
0x47: {  	v0 =	vld [tilespmem:s19+$0xFFFFFFC0];
	[tilespmem:s20+$0x1020 ss:$0x81] =	vst.msk $0xffff, v6;
	s19 =	sadd.s32 $0x80, s19  }
0x48: {  	s22 =	sadd.s32 $0x4, s22;
	v4 =	vld [tilespmem:s19+$0x30];
	[tilespmem:s20+$0x1830 ss:$0x81] =	vst.msk $0xffff, v7  }
.Ltmp4:
0x49: {  	_ = 	snop;
	(pc) =	sbr.rel .LBB1_4-.Ltmp4, $1  }
0x4a: {  	_ =	sdelay $0x3  }
.LBB1_6:
0x4b: {  	_ =	sfence.sel $0x180000  }
0x4c: {  	s2 =	simm.s32 $0x1;
	[bflag:$0x0] =	sbarrier.arrive $0xFFFF  }
0x4d: {  	s31 =	simm.s32 $0x2;
	[sflag:s2] =	ssyncpa.u1 $0x1  }
0x4e: {  	[sflag:s31] =	ssyncpa.u1 $0x1  }
0x4f: {  	p0 =	sne.s32 s0, $0x0;
	_ =	strace $0x9000005F  }
0x50: {  	s0 =	sadd.s32 @!p0 $0x100000, s1;
	[bflag:$0x2] =	sbarrier.arrive $0xFFFF  }
0x51: {  	[sflag:s0] =	ssyncadd.tile.s32 @!p0 $0x1;
	_ =	shalt  }
.Lfunc_end1:
_tile_overlayer_lowered:
.L_overlay_start_2:
0x52: {  	(tag) =	ssettag $0x2  }
0x53: {  	s0 =	rddreg [dreg:$0x0];
	s2 =	stileid.u32  }
0x54: {  	s1 =	rddreg [dreg:$0x1];
	p0 =	sne.s32 s2, $0x0  }
0x55: {  	s3 =	rddreg [dreg:$0x2];
	[bflag:$0x3] =	sbarrier.arrive $0xFFFF;
	s2 =	simm.s32 @!p0 $0x1C01  }
0x56: {  	[timem:s3], [sflag:s2] =	dma.local @!p0 [hbm:s0], s1  }
0x57: {  	s0 =	simm.s32 @!p0 $0x1  }
0x58: {  	_ =	swait.ge @!p0 [sflag:s0], s1  }
0x59: {  	s1 =	ssub.s32 @!p0 $0x0, s1;
	[sflag:s0] =	ssyncset.done @!p0 $0x0  }
0x5a: {  	[sflag:s0] =	ssyncadd.s32 @!p0 s1  }
0x5b: {  	[bflag:$0x3] =	sbarrier.arrive $0xFFFF  }
0x5c: {  	_ =	shalt  }

// kernel: sparse-core-data-format-call.2.cloned.1.call-start
scs
called_computation.2_lowered:
.L_overlay_start_0:
0x0: {  	s1 =	sld [smem:$0x3FD9]  }
0x1: {  	s2 =	sld [smem:$0x3FFE];
	_ =	sdelay $0x1  }
0x2: {  	s3 =	srdreg.scid  }
0x3: {  	s0 =	sand.u32 $0x1, s3  }
0x4: {  	s17 =	sshll.u32 s0, $0xA;
	s1 =	sadd.s32 s2, s1  }
0x5: {  	s1 =	sadd.s32 s1, s17  }
0x6: {  	[smem:$0x3FA9] =	sst s1  }
0x7: {  	_ = 	snop  }
0x8: {  	(tm) =	ssettm $0x1  }
0x9: {  	s18 =	sld [smem:$0x3FFB];
	_ =	sdelay $0x3  }
0xa: {  	_ =	strace s18  }
0xb: {  	s1 =	sld [smem:$0x3FFC];
	_ =	sdelay $0x3  }
0xc: {  	_ =	strace s1  }
0xd: {  	s1 =	sld [smem:$0x3FFD];
	_ =	sdelay $0x3  }
0xe: {  	_ =	strace s1  }
0xf: {  	_ =	strace $0x8FFFFFFF  }
0x10: {  	s19 =	sld [smem:$0x3FDB];
	_ =	sdelay $0x1  }
0x11: {  	s20 =	simm.s32 $_scs_section_size  }
0x12: {  	s4 =	simm.s32 $_size__tile_overlayer_lowered;
	s5 =	simm.s32 $_tile_overlayer_lowered  }
0x13: {  	s23 =	simm.s32 $0x1BFF;
	s22 =	sshll.u32 s5, $0x1;
	s1 =	sadd.s32 s20, s19  }
0x14: {  	s6 =	simm.s32 $0x0;
	s21 =	sshll.u32 s4, $0x1;
	s4 =	sadd.s32 s22, s1  }
0x15: {  	[timem:s6], [sflag:s23] =	dma.local [hbm:s4], s21  }
0x16: {  	_ =	swait.ge [sflag:s23], s21  }
0x17: {  	s2 =	ssub.s32 $0x0, s21;
	[sflag:s23] =	ssyncset.done $0x0  }
0x18: {  	[sflag:s23] =	ssyncadd.s32 s2;
	_ =	sdelay $0x1  }
0x19: {  	s24 =	simm.s32 $0x1B8B  }
0x1a: {  	_ =	swait.ge [sflag:s24], $0x1  }
0x1b: {  	[sflag:s24] =	ssyncset.done $0x0  }
0x1c: {  	s26 =	simm.s32 $0x1B8E;
	s25 =	sld [smem:$0x3FFE];
	[sflag:s24] =	ssyncadd.s32 $0xFFFFFFFF  }
0x1d: {  	s27 =	simm.s32 $execute0_lowered;
	[smem:$0x3FD2] =	sst s26  }
0x1e: {  	s4 =	sshll.u32 s27, $0x1;
	_ =	strace $0x80000058;
	[dreg:$0x1] =	wrdreg $0xFFFFFFFF  }
0x1f: {  	s28 =	simm.s32 $_size_execute0_lowered;
	s1 =	sadd.s32 s1, s4;
	[dreg:$0x0] =	wrdreg $0x0  }
0x20: {  	s4 =	sshll.u32 s28, $0x1;
	[dreg:$0x2] =	wrdreg s1  }
0x21: {  	[dreg:$0x3] =	wrdreg s4  }
0x22: {  	[dreg:$0x4] =	wrdreg $0xC0  }
0x23: {  	_ =	task [dreg:s6], $0x5FFFF  }
0x24: {  	[dreg:$0x1] =	wrdreg $0xFFFFFFFF  }
0x25: {  	[dreg:$0x0] =	wrdreg $0x60  }
0x26: {  	[dreg:$0x2] =	wrdreg s25  }
0x27: {  	[dreg:$0x3] =	wrdreg $0x9  }
0x28: {  	_ =	task.clear_ibuf [dreg:s6], $0x4FFFF;
	_ =	strace $0x90000058  }
0x29: {  	s29 =	simm.s32 $0x9;
	_ =	strace $0x8000005A  }
0x2a: {  	_ =	swait.ge [sflag:s29], $0x1  }
0x2b: {  	[sflag:s29] =	ssyncadd.s32 $0xFFFFFFFF  }
0x2c: {  	_ =	strace $0x9000005A  }
0x2d: {  	_ =	sfence  }
0x2e: {  	s30 =	sld [smem:$0x0];
	_ =	sdelay $0x2  }
0x2f: {  	s31 =	sshll.u32 s3, $0xD;
	s3 =	sshrl.u32 s3, $0x2  }
0x30: {  	s2 =	sand.u32 $0x4000, s31;
	s1 =	sadd.s32 s3, s30  }
0x31: {  	s0 =	sor.u32 s2, s0;
	s1 =	sshll.u32 s1, $0x11  }
0x32: {  	s0 =	sor.u32 s1, s0  }
0x33: {  	s0 =	sadd.s32 $0x8F2B, s0  }
0x34: {  	[sflag:s0] =	ssyncadd.remote.s32 $0x1  }
0x35: {  	_ =	sfence.sel $0xFFFF  }
0x36: {  	[dreg:$0x0] =	wrdreg $0xFFFFFFFF;
	(pc) =	sbr.abs _section_cstart, $3  }
0x37: {  	[dreg:$0x1] =	wrdreg $0xFFFFFFFF  }
0x38: {  	_ =	task.clear_ibuf [dreg:s6], $0x2FFFF;
	_ =	strace $0x9FFFFFFF  }
0x39: {  	(tm) =	ssettm $0x7FFFFFFF  }
tec
execute0_lowered:
.L_overlay_start_1:
0x0: {  	(tag) =	ssettag $0x1  }
0x1: {  	s0 =	stileid.u32;
	s1 =	srdreg.scid  }
0x2: {  	s4 =	rddreg [dreg:$0x0];
	s7 =	simm.s32 $0x1;
	s31 =	simm.s32 $0x2  }
0x3: {  	s16 =	simm.s32 $0x0;
	s2 =	sshll.u32 s0, $0x5;
	s1 =	sshll.u32 s1, $0x9  }
0x4: {  	s9 =	simm.s32 $0x4000;
	s14 =	simm.s32 $0x0;
	s1 =	sor.u32 s2, s1  }
0x5: {  	s15 =	simm.s32 $0x0;
	s10 =	simm.s32 $0x0;
	s2 =	sand.u32 $0x380, s1  }
0x6: {  	s13 =	simm.s32 $0x0;
	s3 =	sadd.s32 $0x252000, s4;
	s5 =	ssub.s32 $0x800, s2  }
0x7: {  	s4 =	sadd.s32 $0x652000, s4;
	s1 =	rddreg [dreg:$0x1];
	s6 =	sand.u32 $0x380, s5  }
.Ltmp0:
0x8: {  	_ =	strace $0x80000059;
	p0 =	sne.s32 s6, $0x0;
	(pc) =	sbr.rel .LBB1_1-.Ltmp0, $4  }
0x9: {  	s11 =	smov.u32 s2;
	s8 =	sshrl.u32 s5, $0xA;
	s7 =	simm.s32 @!p0 $0x0  }
0xa: {  	s5 =	sand.u32 $0x3, s0;
	s6 =	simm.s32 $0x1;
	s7 =	sadd.s32 s7, s8  }
0xb: {  	s12 =	smov.u32 s5;
	[sflag:s6] =	ssyncpa.u1 $0x0;
	s7 =	sshll.u32 s7, $0x4  }
0xc: {  	p0 =	por $0x0, $0x0;
	[sflag:s31] =	ssyncpa.u1 $0x0;
	s8 =	sor.u32 $0x1, s7  }
.LBB1_4:
0xd: {  	v5 =	vld [tilespmem:s19+$0xFFFFFFD0]  }
0xe: {  	[tilespmem:s20+$0x2040 ss:$0x81] =	vst.msk $0xffff, v1;
	v58 =	vld [tilespmem:s19+$0xFFFFFFE0]  }
0xf: {  	[tilespmem:s20+$0x2850 ss:$0x81] =	vst.msk $0xffff, v2;
	v59 =	vld [tilespmem:s19+$0xFFFFFFF0]  }
0x10: {  	s21 =	sshra.s32 s21, $0x2;
	[tilespmem:s20+$0x3060 ss:$0x81] =	vst.msk $0xffff, v3;
	v60 =	vld [tilespmem:s19+$0x0]  }
0x11: {  	[tilespmem:s20+$0x0 ss:$0x81] =	vst.msk $0xffff, v0;
	v61 =	vld [tilespmem:s19+$0x10];
	s18 =	sadd.s32 s21, s18  }
0x12: {  	s26 =	sshll.u32 s16, $0xB;
	v62 =	vld [tilespmem:s19+$0x20];
	[tilespmem:s18+$0x3870 ss:$0x81] =	vst.msk $0xffff, v4  }
0x13: {  	s27 =	sand.u32 $0x78, s14;
	s22 =	sshll.u32 s14, $0x3;
	v63 =	vld [tilespmem:s19+$0xFFFFFFC0];
	s29 =	sshll.u32 s16, $0x7;
	[tilespmem:s18+$0x810 ss:$0x81] =	vst.msk $0xffff, v5  }
0x14: {  	s15 =	sshll.u32 s15, $0x13;
	s20 =	sand.u32 $0x3FC000, s26;
	s28 =	sand.u32 $0x3FFC00, s22;
	[tilespmem:s18+$0x1020 ss:$0x81] =	vst.msk $0xffff, v58  }
0x15: {  	s31 =	sand.u32 $0x7, s14;
	s22 =	sand.u32 $0x400, s22;
	s19 =	sadd.s32 s28, s20;
	[tilespmem:s18+$0x1830 ss:$0x81] =	vst.msk $0xffff, v59  }
0x16: {  	s16 =	sand.u32 $0x380, s29;
	s30 =	sor.u32 s27, s22;
	s19 =	sshrl.u32 s19, $0x3;
	[tilespmem:s18+$0x2040 ss:$0x81] =	vst.msk $0xffff, v60  }
0x17: {  	s15 =	sadd.s32 s4, s15;
	s16 =	sor.u32 s16, s30;
	s19 =	sand.u32 $0x7FF00, s19;
	[tilespmem:s18+$0x2850 ss:$0x81] =	vst.msk $0xffff, v61  }
0x18: {  	s14 =	sshll.u32 s31, $0x12;
	s16 =	sshrl.u32 s16, $0x3;
	[tilespmem:s18+$0x3060 ss:$0x81] =	vst.msk $0xffff, v62;
	s15 =	sadd.s32 s19, s15  }
0x19: {  	s14 =	sor.u32 $0x400, s14;
	[tilespmem:s18+$0x0 ss:$0x81] =	vst.msk $0xffff, v63;
	s15 =	sadd.s32 s16, s15  }
0x1a: {  	[hbm4b:s15+s14] =	stream.strided.scatter [tilespmem:s17], [sflag:$0x2], $0x4000, s9, s14, $0x20;
	[tilespmem:$0x10100] =	vst v63  }
.LBB1_5:
0x1b: {  	s17 =	sadd.s32 $0x80, s10  }
0x1c: {  	s14 =	sadd.s32 $0x400, s11;
	s18 =	smov.u32 s11;
	p2 =	sgt.s32 s17, $0x7FF  }
0x1d: {  	s18 =	smov.u32 @p2 s14  }
0x1e: {  	s20 =	smov.u32 s12;
	s14 =	sadd.s32 $0x4, s12;
	p3 =	sgt.s32 s18, $0x7FF  }
0x1f: {  	s20 =	smov.u32 @p3 s14  }
0x20: {  	s17 =	simm.s32 @p2 $0x0;
	p2 =	sgt.s32 s20, $0x3  }
0x21: {  	p1 =	slt.u32 s13, $0x2;
	s20 =	smov.u32 @p2 s5;
	p2 =	sne.s32 s13, s8  }
.Ltmp1:
0x22: {  	s19 =	simm.s32 @!p1 $0x2;
	(pc) =	sbr.rel @!p2 .LBB1_6-.Ltmp1, $4  }
0x23: {  	s16 =	smov.u32 s10;
	s15 =	smov.u32 s12;
	_ =	swait.ge @!p1 [sflag:s19], $0x4000  }
0x24: {  	p0 =	por !p0, !p0;
	[sflag:s19] =	ssyncset.done @!p1 $0x0;
	s10 =	smov.u32 s17  }
0x25: {  	s18 =	smov.u32 @p3 s2;
	s14 =	smov.u32 s11;
	[sflag:s19] =	ssyncadd.s32 @!p1 $0xFFFFC000  }
0x26: {  	s11 =	smov.u32 s18;
	s13 =	sadd.s32 $0x1, s13;
	s12 =	smov.u32 s20  }
.LBB1_1:
0x27: {  	p1 =	sge.u32 s13, s7;
	s31 =	sadd.s32 $0xFFFFFFFF, s13  }
0x28: {  	s17 =	sxor.u32 @!p1 $0xFFFFFFFF, s13;
	s18 =	sand.u32 @!p1 $0x78, s10;
	s19 =	sshll.u32 @!p1 s11, $0xB  }
0x29: {  	s20 =	sshll.u32 @!p1 s11, $0x7;
	s21 =	sshll.u32 @!p1 s10, $0x3;
	s17 =	sshll.u32 @!p1 s17, $0xE  }
0x2a: {  	s19 =	sand.u32 @!p1 $0x3FC000, s19;
	s20 =	sand.u32 @!p1 $0x380, s20;
	s17 =	sand.u32 @!p1 $0x4000, s17  }
0x2b: {  	s19 =	sadd.s32 @!p1 s19, s21;
	s21 =	sand.u32 @!p1 $0x400, s21;
	s18 =	sor.u32 @!p1 s20, s18  }
0x2c: {  	s20 =	sshll.u32 @!p1 s12, $0x13;
	s18 =	sor.u32 @!p1 s21, s18;
	s19 =	sshrl.u32 @!p1 s19, $0x3  }
0x2d: {  	s20 =	sadd.s32 @!p1 s3, s20;
	s21 =	sand.u32 @!p1 $0x7, s10;
	s19 =	sand.u32 @!p1 $0x7FF00, s19  }
0x2e: {  	s18 =	sshrl.u32 @!p1 s18, $0x3;
	s19 =	sadd.s32 @!p1 s19, s20;
	s20 =	sshll.u32 @!p1 s21, $0x12  }
0x2f: {  	s18 =	sadd.s32 @!p1 s18, s19;
	s19 =	sor.u32 @!p1 $0x400, s20;
	s20 =	simm.s32 @!p1 $0x4000  }
0x30: {  	[tilespmem:s17], [sflag:$0x1] =	stream.strided.gather @!p1 [hbm4b:s18+s19], $0x4000, s20, s19, $0x38;
	[tilespmem:$0x10100] =	vst v63  }
0x31: {  	p1 =	sge.u32 s31, s7  }
.Ltmp2:
0x32: {  	_ = 	snop;
	(pc) =	sbr.rel @p1 .LBB1_5-.Ltmp2, $1  }
0x33: {  	_ =	sdelay $0x3  }
0x34: {  	s17 =	simm.s32 $0x1  }
0x35: {  	_ =	swait.ge [sflag:s6], $0x4000;
	s17 =	simm.s32 @!p0 $0x0  }
0x36: {  	[sflag:s6] =	ssyncset.done $0x0;
	s18 =	sshll.u32 s17, $0xE  }
0x37: {  	[sflag:s6] =	ssyncadd.s32 $0xFFFFC000;
	s19 =	sor.u32 $0x40, s18  }
0x38: {  	s17 =	smul.u32 $0x10200, s17;
	v0 =	vld [tilespmem:s19+$0x30]  }
0x39: {  	v3 =	vld [tilespmem:s19+$0xFFFFFFD0]  }
0x3a: {  	s17 =	sshrl.u32 s17, $0x2;
	v4 =	vld [tilespmem:s19+$0xFFFFFFE0]  }
0x3b: {  	v5 =	vld [tilespmem:s19+$0xFFFFFFF0];
	s18 =	sor.u32 $0x8000, s17  }
0x3c: {  	s31 =	sand.u32 $0x1, s13;
	v1 =	vld [tilespmem:s19+$0x0];
	s20 =	sadd.s32 $0x0, s18  }
0x3d: {  	v2 =	vld [tilespmem:s19+$0x10];
	s17 =	smul.u32 $0x10200, s31;
	[tilespmem:s20+$0x3870 ss:$0x81] =	vst.msk $0xffff, v0  }
0x3e: {  	[tilespmem:s20+$0x810 ss:$0x81] =	vst.msk $0xffff, v3;
	v3 =	vld [tilespmem:s19+$0x20]  }
0x3f: {  	s17 =	sshrl.u32 s17, $0x2;
	v0 =	vld [tilespmem:s19+$0xFFFFFFC0];
	[tilespmem:s20+$0x1020 ss:$0x81] =	vst.msk $0xffff, v4;
	s19 =	sadd.s32 $0x80, s19  }
0x40: {  	s21 =	simm.s32 $0x4;
	s22 =	simm.s32 $0x8;
	s17 =	sor.u32 $0x8000, s17;
	[tilespmem:s20+$0x1830 ss:$0x81] =	vst.msk $0xffff, v5;
	v4 =	vld [tilespmem:s19+$0x30]  }
.LBB1_3:
0x41: {  	p1 =	sne.s32 s22, $0x1FC;
	v5 =	vld [tilespmem:s19+$0xFFFFFFD0];
	[tilespmem:s20+$0x2040 ss:$0x81] =	vst.msk $0xffff, v1  }
0x42: {  	v6 =	vld [tilespmem:s19+$0xFFFFFFE0];
	[tilespmem:s20+$0x2850 ss:$0x81] =	vst.msk $0xffff, v2  }
0x43: {  	s23 =	sshra.s32 s21, $0x2;
	s21 =	smov.u32 s22;
	v7 =	vld [tilespmem:s19+$0xFFFFFFF0];
	[tilespmem:s20+$0x3060 ss:$0x81] =	vst.msk $0xffff, v3  }
.Ltmp3:
0x44: {  	v1 =	vld [tilespmem:s19+$0x0];
	[tilespmem:s20+$0x0 ss:$0x81] =	vst.msk $0xffff, v0;
	s20 =	sadd.s32 s23, s18;
	(pc) =	sbr.rel @p1 .LBB1_3-.Ltmp3, $4  }
0x45: {  	v2 =	vld [tilespmem:s19+$0x10];
	[tilespmem:s20+$0x3870 ss:$0x81] =	vst.msk $0xffff, v4  }
0x46: {  	[tilespmem:s20+$0x810 ss:$0x81] =	vst.msk $0xffff, v5;
	v3 =	vld [tilespmem:s19+$0x20]  }
0x47: {  	v0 =	vld [tilespmem:s19+$0xFFFFFFC0];
	[tilespmem:s20+$0x1020 ss:$0x81] =	vst.msk $0xffff, v6;
	s19 =	sadd.s32 $0x80, s19  }
0x48: {  	s22 =	sadd.s32 $0x4, s22;
	v4 =	vld [tilespmem:s19+$0x30];
	[tilespmem:s20+$0x1830 ss:$0x81] =	vst.msk $0xffff, v7  }
.Ltmp4:
0x49: {  	_ = 	snop;
	(pc) =	sbr.rel .LBB1_4-.Ltmp4, $1  }
0x4a: {  	_ =	sdelay $0x3  }
.LBB1_6:
0x4b: {  	_ =	sfence.sel $0x180000  }
0x4c: {  	s2 =	simm.s32 $0x1;
	[bflag:$0x0] =	sbarrier.arrive $0xFFFF  }
0x4d: {  	s31 =	simm.s32 $0x2;
	[sflag:s2] =	ssyncpa.u1 $0x1  }
0x4e: {  	[sflag:s31] =	ssyncpa.u1 $0x1  }
0x4f: {  	p0 =	sne.s32 s0, $0x0;
	_ =	strace $0x90000059  }
0x50: {  	s0 =	sadd.s32 @!p0 $0x100000, s1;
	[bflag:$0x2] =	sbarrier.arrive $0xFFFF  }
0x51: {  	[sflag:s0] =	ssyncadd.tile.s32 @!p0 $0x1;
	_ =	shalt  }
.Lfunc_end1:
_tile_overlayer_lowered:
.L_overlay_start_2:
0x52: {  	(tag) =	ssettag $0x2  }
0x53: {  	s0 =	rddreg [dreg:$0x0];
	s2 =	stileid.u32  }
0x54: {  	s1 =	rddreg [dreg:$0x1];
	p0 =	sne.s32 s2, $0x0  }
0x55: {  	s3 =	rddreg [dreg:$0x2];
	[bflag:$0x3] =	sbarrier.arrive $0xFFFF;
	s2 =	simm.s32 @!p0 $0x1C01  }
0x56: {  	[timem:s3], [sflag:s2] =	dma.local @!p0 [hbm:s0], s1  }
0x57: {  	s0 =	simm.s32 @!p0 $0x1  }
0x58: {  	_ =	swait.ge @!p0 [sflag:s0], s1  }
0x59: {  	s1 =	ssub.s32 @!p0 $0x0, s1;
	[sflag:s0] =	ssyncset.done @!p0 $0x0  }
0x5a: {  	[sflag:s0] =	ssyncadd.s32 @!p0 s1  }
0x5b: {  	[bflag:$0x3] =	sbarrier.arrive $0xFFFF  }
0x5c: {  	_ =	shalt  }

// kernel: sparse-core-data-format-call.3.cloned.1.call-start
scs
called_computation.3_lowered:
.L_overlay_start_0:
0x0: {  	s2 =	sld [smem:$0x3FD9]  }
0x1: {  	s3 =	sld [smem:$0x3FFE];
	_ =	sdelay $0x1  }
0x2: {  	s1 =	srdreg.scid  }
0x3: {  	s0 =	sand.u32 $0x1, s1  }
0x4: {  	s18 =	sshll.u32 s0, $0xA;
	s2 =	sadd.s32 s3, s2  }
0x5: {  	s2 =	sadd.s32 s2, s18  }
0x6: {  	[smem:$0x3FA9] =	sst s2  }
0x7: {  	_ = 	snop  }
0x8: {  	(tm) =	ssettm $0x1  }
0x9: {  	s19 =	sld [smem:$0x3FFB];
	_ =	sdelay $0x3  }
0xa: {  	_ =	strace s19  }
0xb: {  	s2 =	sld [smem:$0x3FFC];
	_ =	sdelay $0x3  }
0xc: {  	_ =	strace s2  }
0xd: {  	s2 =	sld [smem:$0x3FFD];
	_ =	sdelay $0x3  }
0xe: {  	_ =	strace s2  }
0xf: {  	_ =	strace $0x8FFFFFFF  }
0x10: {  	s20 =	sld [smem:$0x3FDB];
	_ =	sdelay $0x1  }
0x11: {  	s21 =	simm.s32 $_scs_section_size  }
0x12: {  	s4 =	simm.s32 $_size__tile_overlayer_lowered;
	s5 =	simm.s32 $_tile_overlayer_lowered  }
0x13: {  	s6 =	simm.s32 $0x1BFF;
	s22 =	sshll.u32 s5, $0x1;
	s3 =	sadd.s32 s21, s20  }
0x14: {  	s23 =	simm.s32 $0x0;
	s4 =	sshll.u32 s4, $0x1;
	s5 =	sadd.s32 s22, s3  }
0x15: {  	[timem:s23], [sflag:s6] =	dma.local [hbm:s5], s4  }
0x16: {  	_ =	swait.ge [sflag:s6], s4  }
0x17: {  	s4 =	ssub.s32 $0x0, s4;
	[sflag:s6] =	ssyncset.done $0x0  }
0x18: {  	[sflag:s6] =	ssyncadd.s32 s4;
	_ =	sdelay $0x1  }
0x19: {  	s24 =	simm.s32 $0x1B8B  }
0x1a: {  	_ =	swait.ge [sflag:s24], $0x1  }
0x1b: {  	[sflag:s24] =	ssyncset.done $0x0  }
0x1c: {  	[sflag:s24] =	ssyncadd.s32 $0xFFFFFFFF  }
0x1d: {  	s4 =	sld [smem:$0x0]  }
0x1e: {  	s5 =	sand.u32 $0xFFFFFFFE, s1  }
0x1f: {  	p0 =	sne.s32 s1, s5  }
0x20: {  	s5 =	sshll.u32 @p0 s5, $0xE  }
0x21: {  	s5 =	sadd.s32 @p0 $0x11B8D, s5;
	s6 =	sshll.u32 @p0 s4, $0x11  }
0x22: {  	s5 =	sor.u32 @p0 s6, s5  }
0x23: {  	[sflag:s5] =	ssyncadd.remote.s32 @p0 $0x1;
	_ =	sdelay $0x1  }
0x24: {  	s5 =	simm.s32 @p0 $0x1B8D  }
0x25: {  	_ =	swait.eq @p0 [sflag:s5], $0x1  }
0x26: {  	[sflag:s5] =	ssyncadd.s32 @p0 $0xFFFFFFFF  }
0x27: {  	s6 =	sshll.u32 @!p0 s1, $0xE  }
0x28: {  	s6 =	sor.u32 @!p0 $0x4000, s6;
	s5 =	simm.s32 @!p0 $0x1B8D  }
0x29: {  	s4 =	sshll.u32 @!p0 s4, $0x11;
	s6 =	sadd.s32 @!p0 $0x11B8D, s6;
	_ =	swait.eq @!p0 [sflag:s5], $0x1  }
0x2a: {  	s4 =	sor.u32 @!p0 s4, s6;
	[sflag:s5] =	ssyncadd.s32 @!p0 $0xFFFFFFFF  }
0x2b: {  	s26 =	simm.s32 $0x1B8E;
	s25 =	sld [smem:$0x3FFE];
	[sflag:s4] =	ssyncadd.remote.s32 @!p0 $0x1  }
0x2c: {  	s27 =	simm.s32 $execute0_lowered;
	[smem:$0x3FD2] =	sst s26  }
0x2d: {  	s5 =	sshll.u32 s27, $0x1;
	_ =	strace $0x8000005B;
	[dreg:$0x1] =	wrdreg $0xFFFFFFFF  }
0x2e: {  	s28 =	simm.s32 $_size_execute0_lowered;
	s3 =	sadd.s32 s3, s5;
	[dreg:$0x0] =	wrdreg $0x0  }
0x2f: {  	s5 =	sshll.u32 s28, $0x1;
	[dreg:$0x2] =	wrdreg s3  }
0x30: {  	[dreg:$0x3] =	wrdreg s5  }
0x31: {  	[dreg:$0x4] =	wrdreg $0xC0  }
0x32: {  	_ =	task [dreg:s23], $0x5FFFF  }
0x33: {  	[dreg:$0x1] =	wrdreg $0xFFFFFFFF  }
0x34: {  	[dreg:$0x0] =	wrdreg $0x60  }
0x35: {  	[dreg:$0x2] =	wrdreg s25  }
0x36: {  	[dreg:$0x3] =	wrdreg $0xA  }
0x37: {  	_ =	task.clear_ibuf [dreg:s23], $0x4FFFF;
	_ =	strace $0x9000005B  }
0x38: {  	s29 =	simm.s32 $0xA;
	_ =	strace $0x8000005D  }
0x39: {  	_ =	swait.ge [sflag:s29], $0x1  }
0x3a: {  	[sflag:s29] =	ssyncadd.s32 $0xFFFFFFFF  }
0x3b: {  	_ =	strace $0x9000005D  }
0x3c: {  	_ =	sfence  }
0x3d: {  	s30 =	sld [smem:$0x0];
	_ =	sdelay $0x2  }
0x3e: {  	s31 =	sshll.u32 s1, $0xD;
	s1 =	sshrl.u32 s1, $0x2  }
0x3f: {  	s4 =	sand.u32 $0x4000, s31;
	s1 =	sadd.s32 s1, s30  }
0x40: {  	s0 =	sor.u32 s4, s0;
	s1 =	sshll.u32 s1, $0x11  }
0x41: {  	s0 =	sor.u32 s1, s0  }
0x42: {  	s0 =	sadd.s32 $0x8F2B, s0  }
0x43: {  	[sflag:s0] =	ssyncadd.remote.s32 $0x1  }
0x44: {  	_ =	sfence.sel $0xFFFF  }
0x45: {  	[dreg:$0x0] =	wrdreg $0xFFFFFFFF;
	(pc) =	sbr.abs _section_cstart, $3  }
0x46: {  	[dreg:$0x1] =	wrdreg $0xFFFFFFFF  }
0x47: {  	_ =	task.clear_ibuf [dreg:s23], $0x2FFFF;
	_ =	strace $0x9FFFFFFF  }
0x48: {  	(tm) =	ssettm $0x7FFFFFFF  }
0x49: {  	_ =	shalt  }
tec
execute0_lowered:
.L_overlay_start_1:
0x0: {  	(tag) =	ssettag $0x1  }
0x1: {  	s0 =	stileid.u32;
	s1 =	srdreg.scid  }
0x2: {  	s4 =	rddreg [dreg:$0x0];
	s7 =	simm.s32 $0x1;
	s31 =	simm.s32 $0x2  }
0x3: {  	s16 =	simm.s32 $0x0;
	s2 =	sshll.u32 s0, $0x5;
	s1 =	sshll.u32 s1, $0x9  }
0x4: {  	s9 =	simm.s32 $0x4000;
	s14 =	simm.s32 $0x0;
	s1 =	sor.u32 s2, s1  }
0x5: {  	s15 =	simm.s32 $0x0;
	s10 =	simm.s32 $0x0;
	s2 =	sand.u32 $0x380, s1  }
0x6: {  	s13 =	simm.s32 $0x0;
	s3 =	sadd.s32 $0x852000, s4;
	s5 =	ssub.s32 $0x800, s2  }
0x7: {  	s4 =	sadd.s32 $0xA52000, s4;
	s1 =	rddreg [dreg:$0x1];
	s6 =	sand.u32 $0x380, s5  }
.Ltmp0:
0x8: {  	_ =	strace $0x8000005C;
	p0 =	sne.s32 s6, $0x0;
	(pc) =	sbr.rel .LBB1_1-.Ltmp0, $4  }
0x9: {  	s11 =	smov.u32 s2;
	s8 =	sshrl.u32 s5, $0xA;
	s7 =	simm.s32 @!p0 $0x0  }
0xa: {  	s5 =	sand.u32 $0x3, s0;
	s6 =	simm.s32 $0x1;
	s7 =	sadd.s32 s7, s8  }
0xb: {  	s12 =	smov.u32 s5;
	[sflag:s6] =	ssyncpa.u1 $0x0;
	s7 =	sshll.u32 s7, $0x4  }
0xc: {  	p0 =	por $0x0, $0x0;
	[sflag:s31] =	ssyncpa.u1 $0x0;
	s8 =	sor.u32 $0x1, s7  }
.LBB1_4:
0xd: {  	v5 =	vld [tilespmem:s19+$0xFFFFFFD0]  }
0xe: {  	[tilespmem:s20+$0x2040 ss:$0x81] =	vst.msk $0xffff, v1;
	v58 =	vld [tilespmem:s19+$0xFFFFFFE0]  }
0xf: {  	[tilespmem:s20+$0x2850 ss:$0x81] =	vst.msk $0xffff, v2;
	v59 =	vld [tilespmem:s19+$0xFFFFFFF0]  }
0x10: {  	s21 =	sshra.s32 s21, $0x2;
	[tilespmem:s20+$0x3060 ss:$0x81] =	vst.msk $0xffff, v3;
	v60 =	vld [tilespmem:s19+$0x0]  }
0x11: {  	[tilespmem:s20+$0x0 ss:$0x81] =	vst.msk $0xffff, v0;
	v61 =	vld [tilespmem:s19+$0x10];
	s18 =	sadd.s32 s21, s18  }
0x12: {  	s26 =	sshll.u32 s16, $0xB;
	v62 =	vld [tilespmem:s19+$0x20];
	[tilespmem:s18+$0x3870 ss:$0x81] =	vst.msk $0xffff, v4  }
0x13: {  	s27 =	sand.u32 $0x78, s14;
	s22 =	sshll.u32 s14, $0x3;
	v63 =	vld [tilespmem:s19+$0xFFFFFFC0];
	s29 =	sshll.u32 s16, $0x7;
	[tilespmem:s18+$0x810 ss:$0x81] =	vst.msk $0xffff, v5  }
0x14: {  	s15 =	sshll.u32 s15, $0x13;
	s20 =	sand.u32 $0x3FC000, s26;
	s28 =	sand.u32 $0x3FFC00, s22;
	[tilespmem:s18+$0x1020 ss:$0x81] =	vst.msk $0xffff, v58  }
0x15: {  	s31 =	sand.u32 $0x7, s14;
	s22 =	sand.u32 $0x400, s22;
	s19 =	sadd.s32 s28, s20;
	[tilespmem:s18+$0x1830 ss:$0x81] =	vst.msk $0xffff, v59  }
0x16: {  	s16 =	sand.u32 $0x380, s29;
	s30 =	sor.u32 s27, s22;
	s19 =	sshrl.u32 s19, $0x3;
	[tilespmem:s18+$0x2040 ss:$0x81] =	vst.msk $0xffff, v60  }
0x17: {  	s15 =	sadd.s32 s4, s15;
	s16 =	sor.u32 s16, s30;
	s19 =	sand.u32 $0x7FF00, s19;
	[tilespmem:s18+$0x2850 ss:$0x81] =	vst.msk $0xffff, v61  }
0x18: {  	s14 =	sshll.u32 s31, $0x12;
	s16 =	sshrl.u32 s16, $0x3;
	[tilespmem:s18+$0x3060 ss:$0x81] =	vst.msk $0xffff, v62;
	s15 =	sadd.s32 s19, s15  }
0x19: {  	s14 =	sor.u32 $0x400, s14;
	[tilespmem:s18+$0x0 ss:$0x81] =	vst.msk $0xffff, v63;
	s15 =	sadd.s32 s16, s15  }
0x1a: {  	[hbm4b:s15+s14] =	stream.strided.scatter [tilespmem:s17], [sflag:$0x2], $0x4000, s9, s14, $0x20;
	[tilespmem:$0x10100] =	vst v63  }
.LBB1_5:
0x1b: {  	s17 =	sadd.s32 $0x80, s10  }
0x1c: {  	s14 =	sadd.s32 $0x400, s11;
	s18 =	smov.u32 s11;
	p2 =	sgt.s32 s17, $0x7FF  }
0x1d: {  	s18 =	smov.u32 @p2 s14  }
0x1e: {  	s20 =	smov.u32 s12;
	s14 =	sadd.s32 $0x4, s12;
	p3 =	sgt.s32 s18, $0x7FF  }
0x1f: {  	s20 =	smov.u32 @p3 s14  }
0x20: {  	s17 =	simm.s32 @p2 $0x0;
	p2 =	sgt.s32 s20, $0x3  }
0x21: {  	p1 =	slt.u32 s13, $0x2;
	s20 =	smov.u32 @p2 s5;
	p2 =	sne.s32 s13, s8  }
.Ltmp1:
0x22: {  	s19 =	simm.s32 @!p1 $0x2;
	(pc) =	sbr.rel @!p2 .LBB1_6-.Ltmp1, $4  }
0x23: {  	s16 =	smov.u32 s10;
	s15 =	smov.u32 s12;
	_ =	swait.ge @!p1 [sflag:s19], $0x4000  }
0x24: {  	p0 =	por !p0, !p0;
	[sflag:s19] =	ssyncset.done @!p1 $0x0;
	s10 =	smov.u32 s17  }
0x25: {  	s18 =	smov.u32 @p3 s2;
	s14 =	smov.u32 s11;
	[sflag:s19] =	ssyncadd.s32 @!p1 $0xFFFFC000  }
0x26: {  	s11 =	smov.u32 s18;
	s13 =	sadd.s32 $0x1, s13;
	s12 =	smov.u32 s20  }
.LBB1_1:
0x27: {  	p1 =	sge.u32 s13, s7;
	s31 =	sadd.s32 $0xFFFFFFFF, s13  }
0x28: {  	s17 =	sxor.u32 @!p1 $0xFFFFFFFF, s13;
	s18 =	sand.u32 @!p1 $0x78, s10;
	s19 =	sshll.u32 @!p1 s11, $0xB  }
0x29: {  	s20 =	sshll.u32 @!p1 s11, $0x7;
	s21 =	sshll.u32 @!p1 s10, $0x3;
	s17 =	sshll.u32 @!p1 s17, $0xE  }
0x2a: {  	s19 =	sand.u32 @!p1 $0x3FC000, s19;
	s20 =	sand.u32 @!p1 $0x380, s20;
	s17 =	sand.u32 @!p1 $0x4000, s17  }
0x2b: {  	s19 =	sadd.s32 @!p1 s19, s21;
	s21 =	sand.u32 @!p1 $0x400, s21;
	s18 =	sor.u32 @!p1 s20, s18  }
0x2c: {  	s20 =	sshll.u32 @!p1 s12, $0x13;
	s18 =	sor.u32 @!p1 s21, s18;
	s19 =	sshrl.u32 @!p1 s19, $0x3  }
0x2d: {  	s20 =	sadd.s32 @!p1 s3, s20;
	s21 =	sand.u32 @!p1 $0x7, s10;
	s19 =	sand.u32 @!p1 $0x7FF00, s19  }
0x2e: {  	s18 =	sshrl.u32 @!p1 s18, $0x3;
	s19 =	sadd.s32 @!p1 s19, s20;
	s20 =	sshll.u32 @!p1 s21, $0x12  }
0x2f: {  	s18 =	sadd.s32 @!p1 s18, s19;
	s19 =	sor.u32 @!p1 $0x400, s20;
	s20 =	simm.s32 @!p1 $0x4000  }
0x30: {  	[tilespmem:s17], [sflag:$0x1] =	stream.strided.gather @!p1 [hbm4b:s18+s19], $0x4000, s20, s19, $0x38;
	[tilespmem:$0x10100] =	vst v63  }
0x31: {  	p1 =	sge.u32 s31, s7  }
.Ltmp2:
0x32: {  	_ = 	snop;
	(pc) =	sbr.rel @p1 .LBB1_5-.Ltmp2, $1  }
0x33: {  	_ =	sdelay $0x3  }
0x34: {  	s17 =	simm.s32 $0x1  }
0x35: {  	_ =	swait.ge [sflag:s6], $0x4000;
	s17 =	simm.s32 @!p0 $0x0  }
0x36: {  	[sflag:s6] =	ssyncset.done $0x0;
	s18 =	sshll.u32 s17, $0xE  }
0x37: {  	[sflag:s6] =	ssyncadd.s32 $0xFFFFC000;
	s19 =	sor.u32 $0x40, s18  }
0x38: {  	s17 =	smul.u32 $0x10200, s17;
	v0 =	vld [tilespmem:s19+$0x30]  }
0x39: {  	v3 =	vld [tilespmem:s19+$0xFFFFFFD0]  }
0x3a: {  	s17 =	sshrl.u32 s17, $0x2;
	v4 =	vld [tilespmem:s19+$0xFFFFFFE0]  }
0x3b: {  	v5 =	vld [tilespmem:s19+$0xFFFFFFF0];
	s18 =	sor.u32 $0x8000, s17  }
0x3c: {  	s31 =	sand.u32 $0x1, s13;
	v1 =	vld [tilespmem:s19+$0x0];
	s20 =	sadd.s32 $0x0, s18  }
0x3d: {  	v2 =	vld [tilespmem:s19+$0x10];
	s17 =	smul.u32 $0x10200, s31;
	[tilespmem:s20+$0x3870 ss:$0x81] =	vst.msk $0xffff, v0  }
0x3e: {  	[tilespmem:s20+$0x810 ss:$0x81] =	vst.msk $0xffff, v3;
	v3 =	vld [tilespmem:s19+$0x20]  }
0x3f: {  	s17 =	sshrl.u32 s17, $0x2;
	v0 =	vld [tilespmem:s19+$0xFFFFFFC0];
	[tilespmem:s20+$0x1020 ss:$0x81] =	vst.msk $0xffff, v4;
	s19 =	sadd.s32 $0x80, s19  }
0x40: {  	s21 =	simm.s32 $0x4;
	s22 =	simm.s32 $0x8;
	s17 =	sor.u32 $0x8000, s17;
	[tilespmem:s20+$0x1830 ss:$0x81] =	vst.msk $0xffff, v5;
	v4 =	vld [tilespmem:s19+$0x30]  }
.LBB1_3:
0x41: {  	p1 =	sne.s32 s22, $0x1FC;
	v5 =	vld [tilespmem:s19+$0xFFFFFFD0];
	[tilespmem:s20+$0x2040 ss:$0x81] =	vst.msk $0xffff, v1  }
0x42: {  	v6 =	vld [tilespmem:s19+$0xFFFFFFE0];
	[tilespmem:s20+$0x2850 ss:$0x81] =	vst.msk $0xffff, v2  }
0x43: {  	s23 =	sshra.s32 s21, $0x2;
	s21 =	smov.u32 s22;
	v7 =	vld [tilespmem:s19+$0xFFFFFFF0];
	[tilespmem:s20+$0x3060 ss:$0x81] =	vst.msk $0xffff, v3  }
.Ltmp3:
0x44: {  	v1 =	vld [tilespmem:s19+$0x0];
	[tilespmem:s20+$0x0 ss:$0x81] =	vst.msk $0xffff, v0;
	s20 =	sadd.s32 s23, s18;
	(pc) =	sbr.rel @p1 .LBB1_3-.Ltmp3, $4  }
0x45: {  	v2 =	vld [tilespmem:s19+$0x10];
	[tilespmem:s20+$0x3870 ss:$0x81] =	vst.msk $0xffff, v4  }
0x46: {  	[tilespmem:s20+$0x810 ss:$0x81] =	vst.msk $0xffff, v5;
	v3 =	vld [tilespmem:s19+$0x20]  }
0x47: {  	v0 =	vld [tilespmem:s19+$0xFFFFFFC0];
	[tilespmem:s20+$0x1020 ss:$0x81] =	vst.msk $0xffff, v6;
	s19 =	sadd.s32 $0x80, s19  }
0x48: {  	s22 =	sadd.s32 $0x4, s22;
	v4 =	vld [tilespmem:s19+$0x30];
	[tilespmem:s20+$0x1830 ss:$0x81] =	vst.msk $0xffff, v7  }
.Ltmp4:
0x49: {  	_ = 	snop;
	(pc) =	sbr.rel .LBB1_4-.Ltmp4, $1  }
0x4a: {  	_ =	sdelay $0x3  }
.LBB1_6:
0x4b: {  	_ =	sfence.sel $0x180000  }
0x4c: {  	s2 =	simm.s32 $0x1;
	[bflag:$0x0] =	sbarrier.arrive $0xFFFF  }
0x4d: {  	s31 =	simm.s32 $0x2;
	[sflag:s2] =	ssyncpa.u1 $0x1  }
0x4e: {  	[sflag:s31] =	ssyncpa.u1 $0x1  }
0x4f: {  	p0 =	sne.s32 s0, $0x0;
	_ =	strace $0x9000005C  }
0x50: {  	s0 =	sadd.s32 @!p0 $0x100000, s1;
	[bflag:$0x2] =	sbarrier.arrive $0xFFFF  }
0x51: {  	[sflag:s0] =	ssyncadd.tile.s32 @!p0 $0x1;
	_ =	shalt  }
.Lfunc_end1:
_tile_overlayer_lowered:
.L_overlay_start_2:
0x52: {  	(tag) =	ssettag $0x2  }
0x53: {  	s0 =	rddreg [dreg:$0x0];
	s2 =	stileid.u32  }
0x54: {  	s1 =	rddreg [dreg:$0x1];
	p0 =	sne.s32 s2, $0x0  }
0x55: {  	s3 =	rddreg [dreg:$0x2];
	[bflag:$0x3] =	sbarrier.arrive $0xFFFF;
	s2 =	simm.s32 @!p0 $0x1C01  }
0x56: {  	[timem:s3], [sflag:s2] =	dma.local @!p0 [hbm:s0], s1  }
0x57: {  	s0 =	simm.s32 @!p0 $0x1  }
0x58: {  	_ =	swait.ge @!p0 [sflag:s0], s1  }
0x59: {  	s1 =	ssub.s32 @!p0 $0x0, s1;
	[sflag:s0] =	ssyncset.done @!p0 $0x0  }
0x5a: {  	[sflag:s0] =	ssyncadd.s32 @!p0 s1  }
0x5b: {  	[bflag:$0x3] =	sbarrier.arrive $0xFFFF  }
0x5c: {  	_ =	shalt  }

// kernel: sparse-core-data-format-call.4.cloned.1.call-start
scs
called_computation.4_lowered:
.L_overlay_start_0:
0x0: {  	s1 =	sld [smem:$0x3FD9]  }
0x1: {  	s2 =	sld [smem:$0x3FFE];
	_ =	sdelay $0x1  }
0x2: {  	s3 =	srdreg.scid  }
0x3: {  	s0 =	sand.u32 $0x1, s3  }
0x4: {  	s17 =	sshll.u32 s0, $0xA;
	s1 =	sadd.s32 s2, s1  }
0x5: {  	s1 =	sadd.s32 s1, s17  }
0x6: {  	[smem:$0x3FA9] =	sst s1  }
0x7: {  	_ = 	snop  }
0x8: {  	(tm) =	ssettm $0x1  }
0x9: {  	s18 =	sld [smem:$0x3FFB];
	_ =	sdelay $0x3  }
0xa: {  	_ =	strace s18  }
0xb: {  	s1 =	sld [smem:$0x3FFC];
	_ =	sdelay $0x3  }
0xc: {  	_ =	strace s1  }
0xd: {  	s1 =	sld [smem:$0x3FFD];
	_ =	sdelay $0x3  }
0xe: {  	_ =	strace s1  }
0xf: {  	_ =	strace $0x8FFFFFFF  }
0x10: {  	s19 =	sld [smem:$0x3FDB];
	_ =	sdelay $0x1  }
0x11: {  	s20 =	simm.s32 $_scs_section_size  }
0x12: {  	s4 =	simm.s32 $_size__tile_overlayer_lowered;
	s5 =	simm.s32 $_tile_overlayer_lowered  }
0x13: {  	s23 =	simm.s32 $0x1BFF;
	s22 =	sshll.u32 s5, $0x1;
	s1 =	sadd.s32 s20, s19  }
0x14: {  	s6 =	simm.s32 $0x0;
	s21 =	sshll.u32 s4, $0x1;
	s4 =	sadd.s32 s22, s1  }
0x15: {  	[timem:s6], [sflag:s23] =	dma.local [hbm:s4], s21  }
0x16: {  	_ =	swait.ge [sflag:s23], s21  }
0x17: {  	s2 =	ssub.s32 $0x0, s21;
	[sflag:s23] =	ssyncset.done $0x0  }
0x18: {  	[sflag:s23] =	ssyncadd.s32 s2;
	_ =	sdelay $0x1  }
0x19: {  	s24 =	simm.s32 $0x1B8B  }
0x1a: {  	_ =	swait.ge [sflag:s24], $0x1  }
0x1b: {  	[sflag:s24] =	ssyncset.done $0x0  }
0x1c: {  	s26 =	simm.s32 $0x1B8E;
	s25 =	sld [smem:$0x3FFE];
	[sflag:s24] =	ssyncadd.s32 $0xFFFFFFFF  }
0x1d: {  	s27 =	simm.s32 $execute0_lowered;
	[smem:$0x3FD2] =	sst s26  }
0x1e: {  	s4 =	sshll.u32 s27, $0x1;
	_ =	strace $0x80000052;
	[dreg:$0x1] =	wrdreg $0xFFFFFFFF  }
0x1f: {  	s28 =	simm.s32 $_size_execute0_lowered;
	s1 =	sadd.s32 s1, s4;
	[dreg:$0x0] =	wrdreg $0x0  }
0x20: {  	s4 =	sshll.u32 s28, $0x1;
	[dreg:$0x2] =	wrdreg s1  }
0x21: {  	[dreg:$0x3] =	wrdreg s4  }
0x22: {  	[dreg:$0x4] =	wrdreg $0xC0  }
0x23: {  	_ =	task [dreg:s6], $0x5FFFF  }
0x24: {  	[dreg:$0x1] =	wrdreg $0xFFFFFFFF  }
0x25: {  	[dreg:$0x0] =	wrdreg $0x60  }
0x26: {  	[dreg:$0x2] =	wrdreg s25  }
0x27: {  	[dreg:$0x3] =	wrdreg $0x9  }
0x28: {  	_ =	task.clear_ibuf [dreg:s6], $0x4FFFF;
	_ =	strace $0x90000052  }
0x29: {  	s29 =	simm.s32 $0x9;
	_ =	strace $0x80000054  }
0x2a: {  	_ =	swait.ge [sflag:s29], $0x1  }
0x2b: {  	[sflag:s29] =	ssyncadd.s32 $0xFFFFFFFF  }
0x2c: {  	_ =	strace $0x90000054  }
0x2d: {  	_ =	sfence  }
0x2e: {  	s30 =	sld [smem:$0x0];
	_ =	sdelay $0x2  }
0x2f: {  	s31 =	sshll.u32 s3, $0xD;
	s3 =	sshrl.u32 s3, $0x2  }
0x30: {  	s2 =	sand.u32 $0x4000, s31;
	s1 =	sadd.s32 s3, s30  }
0x31: {  	s0 =	sor.u32 s2, s0;
	s1 =	sshll.u32 s1, $0x11  }
0x32: {  	s0 =	sor.u32 s1, s0  }
0x33: {  	s0 =	sadd.s32 $0x8F2B, s0  }
0x34: {  	[sflag:s0] =	ssyncadd.remote.s32 $0x1  }
0x35: {  	_ =	sfence.sel $0xFFFF  }
0x36: {  	[dreg:$0x0] =	wrdreg $0xFFFFFFFF;
	(pc) =	sbr.abs _section_cstart, $3  }
0x37: {  	[dreg:$0x1] =	wrdreg $0xFFFFFFFF  }
0x38: {  	_ =	task.clear_ibuf [dreg:s6], $0x2FFFF;
	_ =	strace $0x9FFFFFFF  }
0x39: {  	(tm) =	ssettm $0x7FFFFFFF  }
tec
execute0_lowered:
.L_overlay_start_1:
0x0: {  	(tag) =	ssettag $0x1  }
0x1: {  	s0 =	stileid.u32;
	s1 =	srdreg.scid  }
0x2: {  	s4 =	rddreg [dreg:$0x0];
	s7 =	simm.s32 $0x1;
	s31 =	simm.s32 $0x2  }
0x3: {  	s16 =	simm.s32 $0x0;
	s2 =	sshll.u32 s0, $0x5;
	s1 =	sshll.u32 s1, $0x9  }
0x4: {  	s9 =	simm.s32 $0x4000;
	s14 =	simm.s32 $0x0;
	s1 =	sor.u32 s2, s1  }
0x5: {  	s15 =	simm.s32 $0x0;
	s10 =	simm.s32 $0x0;
	s2 =	sand.u32 $0x380, s1  }
0x6: {  	s13 =	simm.s32 $0x0;
	s3 =	sadd.s32 $0x252000, s4;
	s5 =	ssub.s32 $0x800, s2  }
0x7: {  	s4 =	sadd.s32 $0x652000, s4;
	s1 =	rddreg [dreg:$0x1];
	s6 =	sand.u32 $0x380, s5  }
.Ltmp0:
0x8: {  	_ =	strace $0x80000053;
	p0 =	sne.s32 s6, $0x0;
	(pc) =	sbr.rel .LBB1_1-.Ltmp0, $4  }
0x9: {  	s11 =	smov.u32 s2;
	s8 =	sshrl.u32 s5, $0xA;
	s7 =	simm.s32 @!p0 $0x0  }
0xa: {  	s5 =	sand.u32 $0x3, s0;
	s6 =	simm.s32 $0x1;
	s7 =	sadd.s32 s7, s8  }
0xb: {  	s12 =	smov.u32 s5;
	[sflag:s6] =	ssyncpa.u1 $0x0;
	s7 =	sshll.u32 s7, $0x4  }
0xc: {  	p0 =	por $0x0, $0x0;
	[sflag:s31] =	ssyncpa.u1 $0x0;
	s8 =	sor.u32 $0x1, s7  }
.LBB1_4:
0xd: {  	v5 =	vld [tilespmem:s19+$0xFFFFFFD0]  }
0xe: {  	[tilespmem:s20+$0x2040 ss:$0x81] =	vst.msk $0xffff, v1;
	v58 =	vld [tilespmem:s19+$0xFFFFFFE0]  }
0xf: {  	[tilespmem:s20+$0x2850 ss:$0x81] =	vst.msk $0xffff, v2;
	v59 =	vld [tilespmem:s19+$0xFFFFFFF0]  }
0x10: {  	s21 =	sshra.s32 s21, $0x2;
	[tilespmem:s20+$0x3060 ss:$0x81] =	vst.msk $0xffff, v3;
	v60 =	vld [tilespmem:s19+$0x0]  }
0x11: {  	[tilespmem:s20+$0x0 ss:$0x81] =	vst.msk $0xffff, v0;
	v61 =	vld [tilespmem:s19+$0x10];
	s18 =	sadd.s32 s21, s18  }
0x12: {  	s26 =	sshll.u32 s16, $0xB;
	v62 =	vld [tilespmem:s19+$0x20];
	[tilespmem:s18+$0x3870 ss:$0x81] =	vst.msk $0xffff, v4  }
0x13: {  	s27 =	sand.u32 $0x78, s14;
	s22 =	sshll.u32 s14, $0x3;
	v63 =	vld [tilespmem:s19+$0xFFFFFFC0];
	s29 =	sshll.u32 s16, $0x7;
	[tilespmem:s18+$0x810 ss:$0x81] =	vst.msk $0xffff, v5  }
0x14: {  	s15 =	sshll.u32 s15, $0x13;
	s20 =	sand.u32 $0x3FC000, s26;
	s28 =	sand.u32 $0x3FFC00, s22;
	[tilespmem:s18+$0x1020 ss:$0x81] =	vst.msk $0xffff, v58  }
0x15: {  	s31 =	sand.u32 $0x7, s14;
	s22 =	sand.u32 $0x400, s22;
	s19 =	sadd.s32 s28, s20;
	[tilespmem:s18+$0x1830 ss:$0x81] =	vst.msk $0xffff, v59  }
0x16: {  	s16 =	sand.u32 $0x380, s29;
	s30 =	sor.u32 s27, s22;
	s19 =	sshrl.u32 s19, $0x3;
	[tilespmem:s18+$0x2040 ss:$0x81] =	vst.msk $0xffff, v60  }
0x17: {  	s15 =	sadd.s32 s4, s15;
	s16 =	sor.u32 s16, s30;
	s19 =	sand.u32 $0x7FF00, s19;
	[tilespmem:s18+$0x2850 ss:$0x81] =	vst.msk $0xffff, v61  }
0x18: {  	s14 =	sshll.u32 s31, $0x12;
	s16 =	sshrl.u32 s16, $0x3;
	[tilespmem:s18+$0x3060 ss:$0x81] =	vst.msk $0xffff, v62;
	s15 =	sadd.s32 s19, s15  }
0x19: {  	s14 =	sor.u32 $0x400, s14;
	[tilespmem:s18+$0x0 ss:$0x81] =	vst.msk $0xffff, v63;
	s15 =	sadd.s32 s16, s15  }
0x1a: {  	[hbm4b:s15+s14] =	stream.strided.scatter [tilespmem:s17], [sflag:$0x2], $0x4000, s9, s14, $0x20;
	[tilespmem:$0x10100] =	vst v63  }
.LBB1_5:
0x1b: {  	s17 =	sadd.s32 $0x80, s10  }
0x1c: {  	s14 =	sadd.s32 $0x400, s11;
	s18 =	smov.u32 s11;
	p2 =	sgt.s32 s17, $0x7FF  }
0x1d: {  	s18 =	smov.u32 @p2 s14  }
0x1e: {  	s20 =	smov.u32 s12;
	s14 =	sadd.s32 $0x4, s12;
	p3 =	sgt.s32 s18, $0x7FF  }
0x1f: {  	s20 =	smov.u32 @p3 s14  }
0x20: {  	s17 =	simm.s32 @p2 $0x0;
	p2 =	sgt.s32 s20, $0x3  }
0x21: {  	p1 =	slt.u32 s13, $0x2;
	s20 =	smov.u32 @p2 s5;
	p2 =	sne.s32 s13, s8  }
.Ltmp1:
0x22: {  	s19 =	simm.s32 @!p1 $0x2;
	(pc) =	sbr.rel @!p2 .LBB1_6-.Ltmp1, $4  }
0x23: {  	s16 =	smov.u32 s10;
	s15 =	smov.u32 s12;
	_ =	swait.ge @!p1 [sflag:s19], $0x4000  }
0x24: {  	p0 =	por !p0, !p0;
	[sflag:s19] =	ssyncset.done @!p1 $0x0;
	s10 =	smov.u32 s17  }
0x25: {  	s18 =	smov.u32 @p3 s2;
	s14 =	smov.u32 s11;
	[sflag:s19] =	ssyncadd.s32 @!p1 $0xFFFFC000  }
0x26: {  	s11 =	smov.u32 s18;
	s13 =	sadd.s32 $0x1, s13;
	s12 =	smov.u32 s20  }
.LBB1_1:
0x27: {  	p1 =	sge.u32 s13, s7;
	s31 =	sadd.s32 $0xFFFFFFFF, s13  }
0x28: {  	s17 =	sxor.u32 @!p1 $0xFFFFFFFF, s13;
	s18 =	sand.u32 @!p1 $0x78, s10;
	s19 =	sshll.u32 @!p1 s11, $0xB  }
0x29: {  	s20 =	sshll.u32 @!p1 s11, $0x7;
	s21 =	sshll.u32 @!p1 s10, $0x3;
	s17 =	sshll.u32 @!p1 s17, $0xE  }
0x2a: {  	s19 =	sand.u32 @!p1 $0x3FC000, s19;
	s20 =	sand.u32 @!p1 $0x380, s20;
	s17 =	sand.u32 @!p1 $0x4000, s17  }
0x2b: {  	s19 =	sadd.s32 @!p1 s19, s21;
	s21 =	sand.u32 @!p1 $0x400, s21;
	s18 =	sor.u32 @!p1 s20, s18  }
0x2c: {  	s20 =	sshll.u32 @!p1 s12, $0x13;
	s18 =	sor.u32 @!p1 s21, s18;
	s19 =	sshrl.u32 @!p1 s19, $0x3  }
0x2d: {  	s20 =	sadd.s32 @!p1 s3, s20;
	s21 =	sand.u32 @!p1 $0x7, s10;
	s19 =	sand.u32 @!p1 $0x7FF00, s19  }
0x2e: {  	s18 =	sshrl.u32 @!p1 s18, $0x3;
	s19 =	sadd.s32 @!p1 s19, s20;
	s20 =	sshll.u32 @!p1 s21, $0x12  }
0x2f: {  	s18 =	sadd.s32 @!p1 s18, s19;
	s19 =	sor.u32 @!p1 $0x400, s20;
	s20 =	simm.s32 @!p1 $0x4000  }
0x30: {  	[tilespmem:s17], [sflag:$0x1] =	stream.strided.gather @!p1 [hbm4b:s18+s19], $0x4000, s20, s19, $0x38;
	[tilespmem:$0x10100] =	vst v63  }
0x31: {  	p1 =	sge.u32 s31, s7  }
.Ltmp2:
0x32: {  	_ = 	snop;
	(pc) =	sbr.rel @p1 .LBB1_5-.Ltmp2, $1  }
0x33: {  	_ =	sdelay $0x3  }
0x34: {  	s17 =	simm.s32 $0x1  }
0x35: {  	_ =	swait.ge [sflag:s6], $0x4000;
	s17 =	simm.s32 @!p0 $0x0  }
0x36: {  	[sflag:s6] =	ssyncset.done $0x0;
	s18 =	sshll.u32 s17, $0xE  }
0x37: {  	[sflag:s6] =	ssyncadd.s32 $0xFFFFC000;
	s19 =	sor.u32 $0x40, s18  }
0x38: {  	s17 =	smul.u32 $0x10200, s17;
	v0 =	vld [tilespmem:s19+$0x30]  }
0x39: {  	v3 =	vld [tilespmem:s19+$0xFFFFFFD0]  }
0x3a: {  	s17 =	sshrl.u32 s17, $0x2;
	v4 =	vld [tilespmem:s19+$0xFFFFFFE0]  }
0x3b: {  	v5 =	vld [tilespmem:s19+$0xFFFFFFF0];
	s18 =	sor.u32 $0x8000, s17  }
0x3c: {  	s31 =	sand.u32 $0x1, s13;
	v1 =	vld [tilespmem:s19+$0x0];
	s20 =	sadd.s32 $0x0, s18  }
0x3d: {  	v2 =	vld [tilespmem:s19+$0x10];
	s17 =	smul.u32 $0x10200, s31;
	[tilespmem:s20+$0x3870 ss:$0x81] =	vst.msk $0xffff, v0  }
0x3e: {  	[tilespmem:s20+$0x810 ss:$0x81] =	vst.msk $0xffff, v3;
	v3 =	vld [tilespmem:s19+$0x20]  }
0x3f: {  	s17 =	sshrl.u32 s17, $0x2;
	v0 =	vld [tilespmem:s19+$0xFFFFFFC0];
	[tilespmem:s20+$0x1020 ss:$0x81] =	vst.msk $0xffff, v4;
	s19 =	sadd.s32 $0x80, s19  }
0x40: {  	s21 =	simm.s32 $0x4;
	s22 =	simm.s32 $0x8;
	s17 =	sor.u32 $0x8000, s17;
	[tilespmem:s20+$0x1830 ss:$0x81] =	vst.msk $0xffff, v5;
	v4 =	vld [tilespmem:s19+$0x30]  }
.LBB1_3:
0x41: {  	p1 =	sne.s32 s22, $0x1FC;
	v5 =	vld [tilespmem:s19+$0xFFFFFFD0];
	[tilespmem:s20+$0x2040 ss:$0x81] =	vst.msk $0xffff, v1  }
0x42: {  	v6 =	vld [tilespmem:s19+$0xFFFFFFE0];
	[tilespmem:s20+$0x2850 ss:$0x81] =	vst.msk $0xffff, v2  }
0x43: {  	s23 =	sshra.s32 s21, $0x2;
	s21 =	smov.u32 s22;
	v7 =	vld [tilespmem:s19+$0xFFFFFFF0];
	[tilespmem:s20+$0x3060 ss:$0x81] =	vst.msk $0xffff, v3  }
.Ltmp3:
0x44: {  	v1 =	vld [tilespmem:s19+$0x0];
	[tilespmem:s20+$0x0 ss:$0x81] =	vst.msk $0xffff, v0;
	s20 =	sadd.s32 s23, s18;
	(pc) =	sbr.rel @p1 .LBB1_3-.Ltmp3, $4  }
0x45: {  	v2 =	vld [tilespmem:s19+$0x10];
	[tilespmem:s20+$0x3870 ss:$0x81] =	vst.msk $0xffff, v4  }
0x46: {  	[tilespmem:s20+$0x810 ss:$0x81] =	vst.msk $0xffff, v5;
	v3 =	vld [tilespmem:s19+$0x20]  }
0x47: {  	v0 =	vld [tilespmem:s19+$0xFFFFFFC0];
	[tilespmem:s20+$0x1020 ss:$0x81] =	vst.msk $0xffff, v6;
	s19 =	sadd.s32 $0x80, s19  }
0x48: {  	s22 =	sadd.s32 $0x4, s22;
	v4 =	vld [tilespmem:s19+$0x30];
	[tilespmem:s20+$0x1830 ss:$0x81] =	vst.msk $0xffff, v7  }
.Ltmp4:
0x49: {  	_ = 	snop;
	(pc) =	sbr.rel .LBB1_4-.Ltmp4, $1  }
0x4a: {  	_ =	sdelay $0x3  }
.LBB1_6:
0x4b: {  	_ =	sfence.sel $0x180000  }
0x4c: {  	s2 =	simm.s32 $0x1;
	[bflag:$0x0] =	sbarrier.arrive $0xFFFF  }
0x4d: {  	s31 =	simm.s32 $0x2;
	[sflag:s2] =	ssyncpa.u1 $0x1  }
0x4e: {  	[sflag:s31] =	ssyncpa.u1 $0x1  }
0x4f: {  	p0 =	sne.s32 s0, $0x0;
	_ =	strace $0x90000053  }
0x50: {  	s0 =	sadd.s32 @!p0 $0x100000, s1;
	[bflag:$0x2] =	sbarrier.arrive $0xFFFF  }
0x51: {  	[sflag:s0] =	ssyncadd.tile.s32 @!p0 $0x1;
	_ =	shalt  }
.Lfunc_end1:
_tile_overlayer_lowered:
.L_overlay_start_2:
0x52: {  	(tag) =	ssettag $0x2  }
0x53: {  	s0 =	rddreg [dreg:$0x0];
	s2 =	stileid.u32  }
0x54: {  	s1 =	rddreg [dreg:$0x1];
	p0 =	sne.s32 s2, $0x0  }
0x55: {  	s3 =	rddreg [dreg:$0x2];
	[bflag:$0x3] =	sbarrier.arrive $0xFFFF;
	s2 =	simm.s32 @!p0 $0x1C01  }
0x56: {  	[timem:s3], [sflag:s2] =	dma.local @!p0 [hbm:s0], s1  }
0x57: {  	s0 =	simm.s32 @!p0 $0x1  }
0x58: {  	_ =	swait.ge @!p0 [sflag:s0], s1  }
0x59: {  	s1 =	ssub.s32 @!p0 $0x0, s1;
	[sflag:s0] =	ssyncset.done @!p0 $0x0  }
0x5a: {  	[sflag:s0] =	ssyncadd.s32 @!p0 s1  }
0x5b: {  	[bflag:$0x3] =	sbarrier.arrive $0xFFFF  }
0x5c: {  	_ =	shalt  }

// kernel: sparse-core-data-format-call.5.cloned.1.call-start
scs
called_computation.5_lowered:
.L_overlay_start_0:
0x0: {  	s2 =	sld [smem:$0x3FD9]  }
0x1: {  	s3 =	sld [smem:$0x3FFE];
	_ =	sdelay $0x1  }
0x2: {  	s1 =	srdreg.scid  }
0x3: {  	s0 =	sand.u32 $0x1, s1  }
0x4: {  	s18 =	sshll.u32 s0, $0xA;
	s2 =	sadd.s32 s3, s2  }
0x5: {  	s2 =	sadd.s32 s2, s18  }
0x6: {  	[smem:$0x3FA9] =	sst s2  }
0x7: {  	_ = 	snop  }
0x8: {  	(tm) =	ssettm $0x1  }
0x9: {  	s19 =	sld [smem:$0x3FFB];
	_ =	sdelay $0x3  }
0xa: {  	_ =	strace s19  }
0xb: {  	s2 =	sld [smem:$0x3FFC];
	_ =	sdelay $0x3  }
0xc: {  	_ =	strace s2  }
0xd: {  	s2 =	sld [smem:$0x3FFD];
	_ =	sdelay $0x3  }
0xe: {  	_ =	strace s2  }
0xf: {  	_ =	strace $0x8FFFFFFF  }
0x10: {  	s20 =	sld [smem:$0x3FDB];
	_ =	sdelay $0x1  }
0x11: {  	s21 =	simm.s32 $_scs_section_size  }
0x12: {  	s4 =	simm.s32 $_size__tile_overlayer_lowered;
	s5 =	simm.s32 $_tile_overlayer_lowered  }
0x13: {  	s6 =	simm.s32 $0x1BFF;
	s22 =	sshll.u32 s5, $0x1;
	s3 =	sadd.s32 s21, s20  }
0x14: {  	s23 =	simm.s32 $0x0;
	s4 =	sshll.u32 s4, $0x1;
	s5 =	sadd.s32 s22, s3  }
0x15: {  	[timem:s23], [sflag:s6] =	dma.local [hbm:s5], s4  }
0x16: {  	_ =	swait.ge [sflag:s6], s4  }
0x17: {  	s4 =	ssub.s32 $0x0, s4;
	[sflag:s6] =	ssyncset.done $0x0  }
0x18: {  	[sflag:s6] =	ssyncadd.s32 s4;
	_ =	sdelay $0x1  }
0x19: {  	s24 =	simm.s32 $0x1B8B  }
0x1a: {  	_ =	swait.ge [sflag:s24], $0x1  }
0x1b: {  	[sflag:s24] =	ssyncset.done $0x0  }
0x1c: {  	[sflag:s24] =	ssyncadd.s32 $0xFFFFFFFF  }
0x1d: {  	s4 =	sld [smem:$0x0]  }
0x1e: {  	s5 =	sand.u32 $0xFFFFFFFE, s1  }
0x1f: {  	p0 =	sne.s32 s1, s5  }
0x20: {  	s5 =	sshll.u32 @p0 s5, $0xE  }
0x21: {  	s5 =	sadd.s32 @p0 $0x11B8D, s5;
	s6 =	sshll.u32 @p0 s4, $0x11  }
0x22: {  	s5 =	sor.u32 @p0 s6, s5  }
0x23: {  	[sflag:s5] =	ssyncadd.remote.s32 @p0 $0x1;
	_ =	sdelay $0x1  }
0x24: {  	s5 =	simm.s32 @p0 $0x1B8D  }
0x25: {  	_ =	swait.eq @p0 [sflag:s5], $0x1  }
0x26: {  	[sflag:s5] =	ssyncadd.s32 @p0 $0xFFFFFFFF  }
0x27: {  	s6 =	sshll.u32 @!p0 s1, $0xE  }
0x28: {  	s6 =	sor.u32 @!p0 $0x4000, s6;
	s5 =	simm.s32 @!p0 $0x1B8D  }
0x29: {  	s4 =	sshll.u32 @!p0 s4, $0x11;
	s6 =	sadd.s32 @!p0 $0x11B8D, s6;
	_ =	swait.eq @!p0 [sflag:s5], $0x1  }
0x2a: {  	s4 =	sor.u32 @!p0 s4, s6;
	[sflag:s5] =	ssyncadd.s32 @!p0 $0xFFFFFFFF  }
0x2b: {  	s26 =	simm.s32 $0x1B8E;
	s25 =	sld [smem:$0x3FFE];
	[sflag:s4] =	ssyncadd.remote.s32 @!p0 $0x1  }
0x2c: {  	s27 =	simm.s32 $execute0_lowered;
	[smem:$0x3FD2] =	sst s26  }
0x2d: {  	s5 =	sshll.u32 s27, $0x1;
	_ =	strace $0x80000055;
	[dreg:$0x1] =	wrdreg $0xFFFFFFFF  }
0x2e: {  	s28 =	simm.s32 $_size_execute0_lowered;
	s3 =	sadd.s32 s3, s5;
	[dreg:$0x0] =	wrdreg $0x0  }
0x2f: {  	s5 =	sshll.u32 s28, $0x1;
	[dreg:$0x2] =	wrdreg s3  }
0x30: {  	[dreg:$0x3] =	wrdreg s5  }
0x31: {  	[dreg:$0x4] =	wrdreg $0xC0  }
0x32: {  	_ =	task [dreg:s23], $0x5FFFF  }
0x33: {  	[dreg:$0x1] =	wrdreg $0xFFFFFFFF  }
0x34: {  	[dreg:$0x0] =	wrdreg $0x60  }
0x35: {  	[dreg:$0x2] =	wrdreg s25  }
0x36: {  	[dreg:$0x3] =	wrdreg $0xA  }
0x37: {  	_ =	task.clear_ibuf [dreg:s23], $0x4FFFF;
	_ =	strace $0x90000055  }
0x38: {  	s29 =	simm.s32 $0xA;
	_ =	strace $0x80000057  }
0x39: {  	_ =	swait.ge [sflag:s29], $0x1  }
0x3a: {  	[sflag:s29] =	ssyncadd.s32 $0xFFFFFFFF  }
0x3b: {  	_ =	strace $0x90000057  }
0x3c: {  	_ =	sfence  }
0x3d: {  	s30 =	sld [smem:$0x0];
	_ =	sdelay $0x2  }
0x3e: {  	s31 =	sshll.u32 s1, $0xD;
	s1 =	sshrl.u32 s1, $0x2  }
0x3f: {  	s4 =	sand.u32 $0x4000, s31;
	s1 =	sadd.s32 s1, s30  }
0x40: {  	s0 =	sor.u32 s4, s0;
	s1 =	sshll.u32 s1, $0x11  }
0x41: {  	s0 =	sor.u32 s1, s0  }
0x42: {  	s0 =	sadd.s32 $0x8F2B, s0  }
0x43: {  	[sflag:s0] =	ssyncadd.remote.s32 $0x1  }
0x44: {  	_ =	sfence.sel $0xFFFF  }
0x45: {  	[dreg:$0x0] =	wrdreg $0xFFFFFFFF;
	(pc) =	sbr.abs _section_cstart, $3  }
0x46: {  	[dreg:$0x1] =	wrdreg $0xFFFFFFFF  }
0x47: {  	_ =	task.clear_ibuf [dreg:s23], $0x2FFFF;
	_ =	strace $0x9FFFFFFF  }
0x48: {  	(tm) =	ssettm $0x7FFFFFFF  }
0x49: {  	_ =	shalt  }
tec
execute0_lowered:
.L_overlay_start_1:
0x0: {  	(tag) =	ssettag $0x1  }
0x1: {  	s0 =	stileid.u32;
	s1 =	srdreg.scid  }
0x2: {  	s4 =	rddreg [dreg:$0x0];
	s7 =	simm.s32 $0x1;
	s31 =	simm.s32 $0x2  }
0x3: {  	s16 =	simm.s32 $0x0;
	s2 =	sshll.u32 s0, $0x5;
	s1 =	sshll.u32 s1, $0x9  }
0x4: {  	s9 =	simm.s32 $0x4000;
	s14 =	simm.s32 $0x0;
	s1 =	sor.u32 s2, s1  }
0x5: {  	s15 =	simm.s32 $0x0;
	s10 =	simm.s32 $0x0;
	s2 =	sand.u32 $0x380, s1  }
0x6: {  	s13 =	simm.s32 $0x0;
	s3 =	sadd.s32 $0x852000, s4;
	s5 =	ssub.s32 $0x800, s2  }
0x7: {  	s4 =	sadd.s32 $0xA52000, s4;
	s1 =	rddreg [dreg:$0x1];
	s6 =	sand.u32 $0x380, s5  }
.Ltmp0:
0x8: {  	_ =	strace $0x80000056;
	p0 =	sne.s32 s6, $0x0;
	(pc) =	sbr.rel .LBB1_1-.Ltmp0, $4  }
0x9: {  	s11 =	smov.u32 s2;
	s8 =	sshrl.u32 s5, $0xA;
	s7 =	simm.s32 @!p0 $0x0  }
0xa: {  	s5 =	sand.u32 $0x3, s0;
	s6 =	simm.s32 $0x1;
	s7 =	sadd.s32 s7, s8  }
0xb: {  	s12 =	smov.u32 s5;
	[sflag:s6] =	ssyncpa.u1 $0x0;
	s7 =	sshll.u32 s7, $0x4  }
0xc: {  	p0 =	por $0x0, $0x0;
	[sflag:s31] =	ssyncpa.u1 $0x0;
	s8 =	sor.u32 $0x1, s7  }
.LBB1_4:
0xd: {  	v5 =	vld [tilespmem:s19+$0xFFFFFFD0]  }
0xe: {  	[tilespmem:s20+$0x2040 ss:$0x81] =	vst.msk $0xffff, v1;
	v58 =	vld [tilespmem:s19+$0xFFFFFFE0]  }
0xf: {  	[tilespmem:s20+$0x2850 ss:$0x81] =	vst.msk $0xffff, v2;
	v59 =	vld [tilespmem:s19+$0xFFFFFFF0]  }
0x10: {  	s21 =	sshra.s32 s21, $0x2;
	[tilespmem:s20+$0x3060 ss:$0x81] =	vst.msk $0xffff, v3;
	v60 =	vld [tilespmem:s19+$0x0]  }
0x11: {  	[tilespmem:s20+$0x0 ss:$0x81] =	vst.msk $0xffff, v0;
	v61 =	vld [tilespmem:s19+$0x10];
	s18 =	sadd.s32 s21, s18  }
0x12: {  	s26 =	sshll.u32 s16, $0xB;
	v62 =	vld [tilespmem:s19+$0x20];
	[tilespmem:s18+$0x3870 ss:$0x81] =	vst.msk $0xffff, v4  }
0x13: {  	s27 =	sand.u32 $0x78, s14;
	s22 =	sshll.u32 s14, $0x3;
	v63 =	vld [tilespmem:s19+$0xFFFFFFC0];
	s29 =	sshll.u32 s16, $0x7;
	[tilespmem:s18+$0x810 ss:$0x81] =	vst.msk $0xffff, v5  }
0x14: {  	s15 =	sshll.u32 s15, $0x13;
	s20 =	sand.u32 $0x3FC000, s26;
	s28 =	sand.u32 $0x3FFC00, s22;
	[tilespmem:s18+$0x1020 ss:$0x81] =	vst.msk $0xffff, v58  }
0x15: {  	s31 =	sand.u32 $0x7, s14;
	s22 =	sand.u32 $0x400, s22;
	s19 =	sadd.s32 s28, s20;
	[tilespmem:s18+$0x1830 ss:$0x81] =	vst.msk $0xffff, v59  }
0x16: {  	s16 =	sand.u32 $0x380, s29;
	s30 =	sor.u32 s27, s22;
	s19 =	sshrl.u32 s19, $0x3;
	[tilespmem:s18+$0x2040 ss:$0x81] =	vst.msk $0xffff, v60  }
0x17: {  	s15 =	sadd.s32 s4, s15;
	s16 =	sor.u32 s16, s30;
	s19 =	sand.u32 $0x7FF00, s19;
	[tilespmem:s18+$0x2850 ss:$0x81] =	vst.msk $0xffff, v61  }
0x18: {  	s14 =	sshll.u32 s31, $0x12;
	s16 =	sshrl.u32 s16, $0x3;
	[tilespmem:s18+$0x3060 ss:$0x81] =	vst.msk $0xffff, v62;
	s15 =	sadd.s32 s19, s15  }
0x19: {  	s14 =	sor.u32 $0x400, s14;
	[tilespmem:s18+$0x0 ss:$0x81] =	vst.msk $0xffff, v63;
	s15 =	sadd.s32 s16, s15  }
0x1a: {  	[hbm4b:s15+s14] =	stream.strided.scatter [tilespmem:s17], [sflag:$0x2], $0x4000, s9, s14, $0x20;
	[tilespmem:$0x10100] =	vst v63  }
.LBB1_5:
0x1b: {  	s17 =	sadd.s32 $0x80, s10  }
0x1c: {  	s14 =	sadd.s32 $0x400, s11;
	s18 =	smov.u32 s11;
	p2 =	sgt.s32 s17, $0x7FF  }
0x1d: {  	s18 =	smov.u32 @p2 s14  }
0x1e: {  	s20 =	smov.u32 s12;
	s14 =	sadd.s32 $0x4, s12;
	p3 =	sgt.s32 s18, $0x7FF  }
0x1f: {  	s20 =	smov.u32 @p3 s14  }
0x20: {  	s17 =	simm.s32 @p2 $0x0;
	p2 =	sgt.s32 s20, $0x3  }
0x21: {  	p1 =	slt.u32 s13, $0x2;
	s20 =	smov.u32 @p2 s5;
	p2 =	sne.s32 s13, s8  }
.Ltmp1:
0x22: {  	s19 =	simm.s32 @!p1 $0x2;
	(pc) =	sbr.rel @!p2 .LBB1_6-.Ltmp1, $4  }
0x23: {  	s16 =	smov.u32 s10;
	s15 =	smov.u32 s12;
	_ =	swait.ge @!p1 [sflag:s19], $0x4000  }
0x24: {  	p0 =	por !p0, !p0;
	[sflag:s19] =	ssyncset.done @!p1 $0x0;
	s10 =	smov.u32 s17  }
0x25: {  	s18 =	smov.u32 @p3 s2;
	s14 =	smov.u32 s11;
	[sflag:s19] =	ssyncadd.s32 @!p1 $0xFFFFC000  }
0x26: {  	s11 =	smov.u32 s18;
	s13 =	sadd.s32 $0x1, s13;
	s12 =	smov.u32 s20  }
.LBB1_1:
0x27: {  	p1 =	sge.u32 s13, s7;
	s31 =	sadd.s32 $0xFFFFFFFF, s13  }
0x28: {  	s17 =	sxor.u32 @!p1 $0xFFFFFFFF, s13;
	s18 =	sand.u32 @!p1 $0x78, s10;
	s19 =	sshll.u32 @!p1 s11, $0xB  }
0x29: {  	s20 =	sshll.u32 @!p1 s11, $0x7;
	s21 =	sshll.u32 @!p1 s10, $0x3;
	s17 =	sshll.u32 @!p1 s17, $0xE  }
0x2a: {  	s19 =	sand.u32 @!p1 $0x3FC000, s19;
	s20 =	sand.u32 @!p1 $0x380, s20;
	s17 =	sand.u32 @!p1 $0x4000, s17  }
0x2b: {  	s19 =	sadd.s32 @!p1 s19, s21;
	s21 =	sand.u32 @!p1 $0x400, s21;
	s18 =	sor.u32 @!p1 s20, s18  }
0x2c: {  	s20 =	sshll.u32 @!p1 s12, $0x13;
	s18 =	sor.u32 @!p1 s21, s18;
	s19 =	sshrl.u32 @!p1 s19, $0x3  }
0x2d: {  	s20 =	sadd.s32 @!p1 s3, s20;
	s21 =	sand.u32 @!p1 $0x7, s10;
	s19 =	sand.u32 @!p1 $0x7FF00, s19  }
0x2e: {  	s18 =	sshrl.u32 @!p1 s18, $0x3;
	s19 =	sadd.s32 @!p1 s19, s20;
	s20 =	sshll.u32 @!p1 s21, $0x12  }
0x2f: {  	s18 =	sadd.s32 @!p1 s18, s19;
	s19 =	sor.u32 @!p1 $0x400, s20;
	s20 =	simm.s32 @!p1 $0x4000  }
0x30: {  	[tilespmem:s17], [sflag:$0x1] =	stream.strided.gather @!p1 [hbm4b:s18+s19], $0x4000, s20, s19, $0x38;
	[tilespmem:$0x10100] =	vst v63  }
0x31: {  	p1 =	sge.u32 s31, s7  }
.Ltmp2:
0x32: {  	_ = 	snop;
	(pc) =	sbr.rel @p1 .LBB1_5-.Ltmp2, $1  }
0x33: {  	_ =	sdelay $0x3  }
0x34: {  	s17 =	simm.s32 $0x1  }
0x35: {  	_ =	swait.ge [sflag:s6], $0x4000;
	s17 =	simm.s32 @!p0 $0x0  }
0x36: {  	[sflag:s6] =	ssyncset.done $0x0;
	s18 =	sshll.u32 s17, $0xE  }
0x37: {  	[sflag:s6] =	ssyncadd.s32 $0xFFFFC000;
	s19 =	sor.u32 $0x40, s18  }
0x38: {  	s17 =	smul.u32 $0x10200, s17;
	v0 =	vld [tilespmem:s19+$0x30]  }
0x39: {  	v3 =	vld [tilespmem:s19+$0xFFFFFFD0]  }
0x3a: {  	s17 =	sshrl.u32 s17, $0x2;
	v4 =	vld [tilespmem:s19+$0xFFFFFFE0]  }
0x3b: {  	v5 =	vld [tilespmem:s19+$0xFFFFFFF0];
	s18 =	sor.u32 $0x8000, s17  }
0x3c: {  	s31 =	sand.u32 $0x1, s13;
	v1 =	vld [tilespmem:s19+$0x0];
	s20 =	sadd.s32 $0x0, s18  }
0x3d: {  	v2 =	vld [tilespmem:s19+$0x10];
	s17 =	smul.u32 $0x10200, s31;
	[tilespmem:s20+$0x3870 ss:$0x81] =	vst.msk $0xffff, v0  }
0x3e: {  	[tilespmem:s20+$0x810 ss:$0x81] =	vst.msk $0xffff, v3;
	v3 =	vld [tilespmem:s19+$0x20]  }
0x3f: {  	s17 =	sshrl.u32 s17, $0x2;
	v0 =	vld [tilespmem:s19+$0xFFFFFFC0];
	[tilespmem:s20+$0x1020 ss:$0x81] =	vst.msk $0xffff, v4;
	s19 =	sadd.s32 $0x80, s19  }
0x40: {  	s21 =	simm.s32 $0x4;
	s22 =	simm.s32 $0x8;
	s17 =	sor.u32 $0x8000, s17;
	[tilespmem:s20+$0x1830 ss:$0x81] =	vst.msk $0xffff, v5;
	v4 =	vld [tilespmem:s19+$0x30]  }
.LBB1_3:
0x41: {  	p1 =	sne.s32 s22, $0x1FC;
	v5 =	vld [tilespmem:s19+$0xFFFFFFD0];
	[tilespmem:s20+$0x2040 ss:$0x81] =	vst.msk $0xffff, v1  }
0x42: {  	v6 =	vld [tilespmem:s19+$0xFFFFFFE0];
	[tilespmem:s20+$0x2850 ss:$0x81] =	vst.msk $0xffff, v2  }
0x43: {  	s23 =	sshra.s32 s21, $0x2;
	s21 =	smov.u32 s22;
	v7 =	vld [tilespmem:s19+$0xFFFFFFF0];
	[tilespmem:s20+$0x3060 ss:$0x81] =	vst.msk $0xffff, v3  }
.Ltmp3:
0x44: {  	v1 =	vld [tilespmem:s19+$0x0];
	[tilespmem:s20+$0x0 ss:$0x81] =	vst.msk $0xffff, v0;
	s20 =	sadd.s32 s23, s18;
	(pc) =	sbr.rel @p1 .LBB1_3-.Ltmp3, $4  }
0x45: {  	v2 =	vld [tilespmem:s19+$0x10];
	[tilespmem:s20+$0x3870 ss:$0x81] =	vst.msk $0xffff, v4  }
0x46: {  	[tilespmem:s20+$0x810 ss:$0x81] =	vst.msk $0xffff, v5;
	v3 =	vld [tilespmem:s19+$0x20]  }
0x47: {  	v0 =	vld [tilespmem:s19+$0xFFFFFFC0];
	[tilespmem:s20+$0x1020 ss:$0x81] =	vst.msk $0xffff, v6;
	s19 =	sadd.s32 $0x80, s19  }
0x48: {  	s22 =	sadd.s32 $0x4, s22;
	v4 =	vld [tilespmem:s19+$0x30];
	[tilespmem:s20+$0x1830 ss:$0x81] =	vst.msk $0xffff, v7  }
.Ltmp4:
0x49: {  	_ = 	snop;
	(pc) =	sbr.rel .LBB1_4-.Ltmp4, $1  }
0x4a: {  	_ =	sdelay $0x3  }
.LBB1_6:
0x4b: {  	_ =	sfence.sel $0x180000  }
0x4c: {  	s2 =	simm.s32 $0x1;
	[bflag:$0x0] =	sbarrier.arrive $0xFFFF  }
0x4d: {  	s31 =	simm.s32 $0x2;
	[sflag:s2] =	ssyncpa.u1 $0x1  }
0x4e: {  	[sflag:s31] =	ssyncpa.u1 $0x1  }
0x4f: {  	p0 =	sne.s32 s0, $0x0;
	_ =	strace $0x90000056  }
0x50: {  	s0 =	sadd.s32 @!p0 $0x100000, s1;
	[bflag:$0x2] =	sbarrier.arrive $0xFFFF  }
0x51: {  	[sflag:s0] =	ssyncadd.tile.s32 @!p0 $0x1;
	_ =	shalt  }
.Lfunc_end1:
_tile_overlayer_lowered:
.L_overlay_start_2:
0x52: {  	(tag) =	ssettag $0x2  }
0x53: {  	s0 =	rddreg [dreg:$0x0];
	s2 =	stileid.u32  }
0x54: {  	s1 =	rddreg [dreg:$0x1];
	p0 =	sne.s32 s2, $0x0  }
0x55: {  	s3 =	rddreg [dreg:$0x2];
	[bflag:$0x3] =	sbarrier.arrive $0xFFFF;
	s2 =	simm.s32 @!p0 $0x1C01  }
0x56: {  	[timem:s3], [sflag:s2] =	dma.local @!p0 [hbm:s0], s1  }
0x57: {  	s0 =	simm.s32 @!p0 $0x1  }
0x58: {  	_ =	swait.ge @!p0 [sflag:s0], s1  }
0x59: {  	s1 =	ssub.s32 @!p0 $0x0, s1;
	[sflag:s0] =	ssyncset.done @!p0 $0x0  }
0x5a: {  	[sflag:s0] =	ssyncadd.s32 @!p0 s1  }
0x5b: {  	[bflag:$0x3] =	sbarrier.arrive $0xFFFF  }
0x5c: {  	_ =	shalt  }

// kernel: sparse-core-data-format-call.6.cloned.1.call-start
scs
called_computation.6_lowered:
.L_overlay_start_0:
0x0: {  	s1 =	sld [smem:$0x3FD9]  }
0x1: {  	s2 =	sld [smem:$0x3FFE];
	_ =	sdelay $0x1  }
0x2: {  	s3 =	srdreg.scid  }
0x3: {  	s0 =	sand.u32 $0x1, s3  }
0x4: {  	s17 =	sshll.u32 s0, $0xA;
	s1 =	sadd.s32 s2, s1  }
0x5: {  	s1 =	sadd.s32 s1, s17  }
0x6: {  	[smem:$0x3FA9] =	sst s1  }
0x7: {  	_ = 	snop  }
0x8: {  	(tm) =	ssettm $0x1  }
0x9: {  	s18 =	sld [smem:$0x3FFB];
	_ =	sdelay $0x3  }
0xa: {  	_ =	strace s18  }
0xb: {  	s1 =	sld [smem:$0x3FFC];
	_ =	sdelay $0x3  }
0xc: {  	_ =	strace s1  }
0xd: {  	s1 =	sld [smem:$0x3FFD];
	_ =	sdelay $0x3  }
0xe: {  	_ =	strace s1  }
0xf: {  	_ =	strace $0x8FFFFFFF  }
0x10: {  	s19 =	sld [smem:$0x3FDB];
	_ =	sdelay $0x1  }
0x11: {  	s20 =	simm.s32 $_scs_section_size  }
0x12: {  	s4 =	simm.s32 $_size__tile_overlayer_lowered;
	s5 =	simm.s32 $_tile_overlayer_lowered  }
0x13: {  	s23 =	simm.s32 $0x1BFF;
	s22 =	sshll.u32 s5, $0x1;
	s1 =	sadd.s32 s20, s19  }
0x14: {  	s6 =	simm.s32 $0x0;
	s21 =	sshll.u32 s4, $0x1;
	s4 =	sadd.s32 s22, s1  }
0x15: {  	[timem:s6], [sflag:s23] =	dma.local [hbm:s4], s21  }
0x16: {  	_ =	swait.ge [sflag:s23], s21  }
0x17: {  	s2 =	ssub.s32 $0x0, s21;
	[sflag:s23] =	ssyncset.done $0x0  }
0x18: {  	[sflag:s23] =	ssyncadd.s32 s2;
	_ =	sdelay $0x1  }
0x19: {  	s24 =	simm.s32 $0x1B8B  }
0x1a: {  	_ =	swait.ge [sflag:s24], $0x1  }
0x1b: {  	[sflag:s24] =	ssyncset.done $0x0  }
0x1c: {  	s26 =	simm.s32 $0x1B8E;
	s25 =	sld [smem:$0x3FFE];
	[sflag:s24] =	ssyncadd.s32 $0xFFFFFFFF  }
0x1d: {  	s27 =	simm.s32 $execute0_lowered;
	[smem:$0x3FD2] =	sst s26  }
0x1e: {  	s4 =	sshll.u32 s27, $0x1;
	_ =	strace $0x8000004C;
	[dreg:$0x1] =	wrdreg $0xFFFFFFFF  }
0x1f: {  	s28 =	simm.s32 $_size_execute0_lowered;
	s1 =	sadd.s32 s1, s4;
	[dreg:$0x0] =	wrdreg $0x0  }
0x20: {  	s4 =	sshll.u32 s28, $0x1;
	[dreg:$0x2] =	wrdreg s1  }
0x21: {  	[dreg:$0x3] =	wrdreg s4  }
0x22: {  	[dreg:$0x4] =	wrdreg $0xC0  }
0x23: {  	_ =	task [dreg:s6], $0x5FFFF  }
0x24: {  	[dreg:$0x1] =	wrdreg $0xFFFFFFFF  }
0x25: {  	[dreg:$0x0] =	wrdreg $0x60  }
0x26: {  	[dreg:$0x2] =	wrdreg s25  }
0x27: {  	[dreg:$0x3] =	wrdreg $0x9  }
0x28: {  	_ =	task.clear_ibuf [dreg:s6], $0x4FFFF;
	_ =	strace $0x9000004C  }
0x29: {  	s29 =	simm.s32 $0x9;
	_ =	strace $0x8000004E  }
0x2a: {  	_ =	swait.ge [sflag:s29], $0x1  }
0x2b: {  	[sflag:s29] =	ssyncadd.s32 $0xFFFFFFFF  }
0x2c: {  	_ =	strace $0x9000004E  }
0x2d: {  	_ =	sfence  }
0x2e: {  	s30 =	sld [smem:$0x0];
	_ =	sdelay $0x2  }
0x2f: {  	s31 =	sshll.u32 s3, $0xD;
	s3 =	sshrl.u32 s3, $0x2  }
0x30: {  	s2 =	sand.u32 $0x4000, s31;
	s1 =	sadd.s32 s3, s30  }
0x31: {  	s0 =	sor.u32 s2, s0;
	s1 =	sshll.u32 s1, $0x11  }
0x32: {  	s0 =	sor.u32 s1, s0  }
0x33: {  	s0 =	sadd.s32 $0x8F2B, s0  }
0x34: {  	[sflag:s0] =	ssyncadd.remote.s32 $0x1  }
0x35: {  	_ =	sfence.sel $0xFFFF  }
0x36: {  	[dreg:$0x0] =	wrdreg $0xFFFFFFFF;
	(pc) =	sbr.abs _section_cstart, $3  }
0x37: {  	[dreg:$0x1] =	wrdreg $0xFFFFFFFF  }
0x38: {  	_ =	task.clear_ibuf [dreg:s6], $0x2FFFF;
	_ =	strace $0x9FFFFFFF  }
0x39: {  	(tm) =	ssettm $0x7FFFFFFF  }
tec
execute0_lowered:
.L_overlay_start_1:
0x0: {  	(tag) =	ssettag $0x1  }
0x1: {  	s0 =	stileid.u32;
	s1 =	srdreg.scid  }
0x2: {  	s4 =	rddreg [dreg:$0x0];
	s7 =	simm.s32 $0x1;
	s31 =	simm.s32 $0x2  }
0x3: {  	s16 =	simm.s32 $0x0;
	s2 =	sshll.u32 s0, $0x5;
	s1 =	sshll.u32 s1, $0x9  }
0x4: {  	s9 =	simm.s32 $0x4000;
	s14 =	simm.s32 $0x0;
	s1 =	sor.u32 s2, s1  }
0x5: {  	s15 =	simm.s32 $0x0;
	s10 =	simm.s32 $0x0;
	s2 =	sand.u32 $0x380, s1  }
0x6: {  	s13 =	simm.s32 $0x0;
	s3 =	sadd.s32 $0x232000, s4;
	s5 =	ssub.s32 $0x800, s2  }
0x7: {  	s4 =	sadd.s32 $0x432000, s4;
	s1 =	rddreg [dreg:$0x1];
	s6 =	sand.u32 $0x380, s5  }
.Ltmp0:
0x8: {  	_ =	strace $0x8000004D;
	p0 =	sne.s32 s6, $0x0;
	(pc) =	sbr.rel .LBB1_1-.Ltmp0, $4  }
0x9: {  	s11 =	smov.u32 s2;
	s8 =	sshrl.u32 s5, $0xA;
	s7 =	simm.s32 @!p0 $0x0  }
0xa: {  	s5 =	sand.u32 $0x3, s0;
	s6 =	simm.s32 $0x1;
	s7 =	sadd.s32 s7, s8  }
0xb: {  	s12 =	smov.u32 s5;
	[sflag:s6] =	ssyncpa.u1 $0x0;
	s7 =	sshll.u32 s7, $0x4  }
0xc: {  	p0 =	por $0x0, $0x0;
	[sflag:s31] =	ssyncpa.u1 $0x0;
	s8 =	sor.u32 $0x1, s7  }
.LBB1_4:
0xd: {  	v5 =	vld [tilespmem:s19+$0xFFFFFFD0]  }
0xe: {  	[tilespmem:s20+$0x2040 ss:$0x81] =	vst.msk $0xffff, v1;
	v58 =	vld [tilespmem:s19+$0xFFFFFFE0]  }
0xf: {  	[tilespmem:s20+$0x2850 ss:$0x81] =	vst.msk $0xffff, v2;
	v59 =	vld [tilespmem:s19+$0xFFFFFFF0]  }
0x10: {  	s21 =	sshra.s32 s21, $0x2;
	[tilespmem:s20+$0x3060 ss:$0x81] =	vst.msk $0xffff, v3;
	v60 =	vld [tilespmem:s19+$0x0]  }
0x11: {  	[tilespmem:s20+$0x0 ss:$0x81] =	vst.msk $0xffff, v0;
	v61 =	vld [tilespmem:s19+$0x10];
	s18 =	sadd.s32 s21, s18  }
0x12: {  	s26 =	sshll.u32 s16, $0xB;
	v62 =	vld [tilespmem:s19+$0x20];
	[tilespmem:s18+$0x3870 ss:$0x81] =	vst.msk $0xffff, v4  }
0x13: {  	s27 =	sand.u32 $0x78, s14;
	s22 =	sshll.u32 s14, $0x3;
	v63 =	vld [tilespmem:s19+$0xFFFFFFC0];
	s29 =	sshll.u32 s16, $0x7;
	[tilespmem:s18+$0x810 ss:$0x81] =	vst.msk $0xffff, v5  }
0x14: {  	s15 =	sshll.u32 s15, $0x13;
	s20 =	sand.u32 $0x3FC000, s26;
	s28 =	sand.u32 $0x3FFC00, s22;
	[tilespmem:s18+$0x1020 ss:$0x81] =	vst.msk $0xffff, v58  }
0x15: {  	s31 =	sand.u32 $0x7, s14;
	s22 =	sand.u32 $0x400, s22;
	s19 =	sadd.s32 s28, s20;
	[tilespmem:s18+$0x1830 ss:$0x81] =	vst.msk $0xffff, v59  }
0x16: {  	s16 =	sand.u32 $0x380, s29;
	s30 =	sor.u32 s27, s22;
	s19 =	sshrl.u32 s19, $0x3;
	[tilespmem:s18+$0x2040 ss:$0x81] =	vst.msk $0xffff, v60  }
0x17: {  	s15 =	sadd.s32 s4, s15;
	s16 =	sor.u32 s16, s30;
	s19 =	sand.u32 $0x7FF00, s19;
	[tilespmem:s18+$0x2850 ss:$0x81] =	vst.msk $0xffff, v61  }
0x18: {  	s14 =	sshll.u32 s31, $0x12;
	s16 =	sshrl.u32 s16, $0x3;
	[tilespmem:s18+$0x3060 ss:$0x81] =	vst.msk $0xffff, v62;
	s15 =	sadd.s32 s19, s15  }
0x19: {  	s14 =	sor.u32 $0x400, s14;
	[tilespmem:s18+$0x0 ss:$0x81] =	vst.msk $0xffff, v63;
	s15 =	sadd.s32 s16, s15  }
0x1a: {  	[hbm4b:s15+s14] =	stream.strided.scatter [tilespmem:s17], [sflag:$0x2], $0x4000, s9, s14, $0x20;
	[tilespmem:$0x10100] =	vst v63  }
.LBB1_5:
0x1b: {  	s17 =	sadd.s32 $0x80, s10  }
0x1c: {  	s14 =	sadd.s32 $0x400, s11;
	s18 =	smov.u32 s11;
	p2 =	sgt.s32 s17, $0x7FF  }
0x1d: {  	s18 =	smov.u32 @p2 s14  }
0x1e: {  	s20 =	smov.u32 s12;
	s14 =	sadd.s32 $0x4, s12;
	p3 =	sgt.s32 s18, $0x7FF  }
0x1f: {  	s20 =	smov.u32 @p3 s14  }
0x20: {  	s17 =	simm.s32 @p2 $0x0;
	p2 =	sgt.s32 s20, $0x3  }
0x21: {  	p1 =	slt.u32 s13, $0x2;
	s20 =	smov.u32 @p2 s5;
	p2 =	sne.s32 s13, s8  }
.Ltmp1:
0x22: {  	s19 =	simm.s32 @!p1 $0x2;
	(pc) =	sbr.rel @!p2 .LBB1_6-.Ltmp1, $4  }
0x23: {  	s16 =	smov.u32 s10;
	s15 =	smov.u32 s12;
	_ =	swait.ge @!p1 [sflag:s19], $0x4000  }
0x24: {  	p0 =	por !p0, !p0;
	[sflag:s19] =	ssyncset.done @!p1 $0x0;
	s10 =	smov.u32 s17  }
0x25: {  	s18 =	smov.u32 @p3 s2;
	s14 =	smov.u32 s11;
	[sflag:s19] =	ssyncadd.s32 @!p1 $0xFFFFC000  }
0x26: {  	s11 =	smov.u32 s18;
	s13 =	sadd.s32 $0x1, s13;
	s12 =	smov.u32 s20  }
.LBB1_1:
0x27: {  	p1 =	sge.u32 s13, s7;
	s31 =	sadd.s32 $0xFFFFFFFF, s13  }
0x28: {  	s17 =	sxor.u32 @!p1 $0xFFFFFFFF, s13;
	s18 =	sand.u32 @!p1 $0x78, s10;
	s19 =	sshll.u32 @!p1 s11, $0xB  }
0x29: {  	s20 =	sshll.u32 @!p1 s11, $0x7;
	s21 =	sshll.u32 @!p1 s10, $0x3;
	s17 =	sshll.u32 @!p1 s17, $0xE  }
0x2a: {  	s19 =	sand.u32 @!p1 $0x3FC000, s19;
	s20 =	sand.u32 @!p1 $0x380, s20;
	s17 =	sand.u32 @!p1 $0x4000, s17  }
0x2b: {  	s19 =	sadd.s32 @!p1 s19, s21;
	s21 =	sand.u32 @!p1 $0x400, s21;
	s18 =	sor.u32 @!p1 s20, s18  }
0x2c: {  	s20 =	sshll.u32 @!p1 s12, $0x13;
	s18 =	sor.u32 @!p1 s21, s18;
	s19 =	sshrl.u32 @!p1 s19, $0x3  }
0x2d: {  	s20 =	sadd.s32 @!p1 s3, s20;
	s21 =	sand.u32 @!p1 $0x7, s10;
	s19 =	sand.u32 @!p1 $0x7FF00, s19  }
0x2e: {  	s18 =	sshrl.u32 @!p1 s18, $0x3;
	s19 =	sadd.s32 @!p1 s19, s20;
	s20 =	sshll.u32 @!p1 s21, $0x12  }
0x2f: {  	s18 =	sadd.s32 @!p1 s18, s19;
	s19 =	sor.u32 @!p1 $0x400, s20;
	s20 =	simm.s32 @!p1 $0x4000  }
0x30: {  	[tilespmem:s17], [sflag:$0x1] =	stream.strided.gather @!p1 [hbm4b:s18+s19], $0x4000, s20, s19, $0x38;
	[tilespmem:$0x10100] =	vst v63  }
0x31: {  	p1 =	sge.u32 s31, s7  }
.Ltmp2:
0x32: {  	_ = 	snop;
	(pc) =	sbr.rel @p1 .LBB1_5-.Ltmp2, $1  }
0x33: {  	_ =	sdelay $0x3  }
0x34: {  	s17 =	simm.s32 $0x1  }
0x35: {  	_ =	swait.ge [sflag:s6], $0x4000;
	s17 =	simm.s32 @!p0 $0x0  }
0x36: {  	[sflag:s6] =	ssyncset.done $0x0;
	s18 =	sshll.u32 s17, $0xE  }
0x37: {  	[sflag:s6] =	ssyncadd.s32 $0xFFFFC000;
	s19 =	sor.u32 $0x40, s18  }
0x38: {  	s17 =	smul.u32 $0x10200, s17;
	v0 =	vld [tilespmem:s19+$0x30]  }
0x39: {  	v3 =	vld [tilespmem:s19+$0xFFFFFFD0]  }
0x3a: {  	s17 =	sshrl.u32 s17, $0x2;
	v4 =	vld [tilespmem:s19+$0xFFFFFFE0]  }
0x3b: {  	v5 =	vld [tilespmem:s19+$0xFFFFFFF0];
	s18 =	sor.u32 $0x8000, s17  }
0x3c: {  	s31 =	sand.u32 $0x1, s13;
	v1 =	vld [tilespmem:s19+$0x0];
	s20 =	sadd.s32 $0x0, s18  }
0x3d: {  	v2 =	vld [tilespmem:s19+$0x10];
	s17 =	smul.u32 $0x10200, s31;
	[tilespmem:s20+$0x3870 ss:$0x81] =	vst.msk $0xffff, v0  }
0x3e: {  	[tilespmem:s20+$0x810 ss:$0x81] =	vst.msk $0xffff, v3;
	v3 =	vld [tilespmem:s19+$0x20]  }
0x3f: {  	s17 =	sshrl.u32 s17, $0x2;
	v0 =	vld [tilespmem:s19+$0xFFFFFFC0];
	[tilespmem:s20+$0x1020 ss:$0x81] =	vst.msk $0xffff, v4;
	s19 =	sadd.s32 $0x80, s19  }
0x40: {  	s21 =	simm.s32 $0x4;
	s22 =	simm.s32 $0x8;
	s17 =	sor.u32 $0x8000, s17;
	[tilespmem:s20+$0x1830 ss:$0x81] =	vst.msk $0xffff, v5;
	v4 =	vld [tilespmem:s19+$0x30]  }
.LBB1_3:
0x41: {  	p1 =	sne.s32 s22, $0x1FC;
	v5 =	vld [tilespmem:s19+$0xFFFFFFD0];
	[tilespmem:s20+$0x2040 ss:$0x81] =	vst.msk $0xffff, v1  }
0x42: {  	v6 =	vld [tilespmem:s19+$0xFFFFFFE0];
	[tilespmem:s20+$0x2850 ss:$0x81] =	vst.msk $0xffff, v2  }
0x43: {  	s23 =	sshra.s32 s21, $0x2;
	s21 =	smov.u32 s22;
	v7 =	vld [tilespmem:s19+$0xFFFFFFF0];
	[tilespmem:s20+$0x3060 ss:$0x81] =	vst.msk $0xffff, v3  }
.Ltmp3:
0x44: {  	v1 =	vld [tilespmem:s19+$0x0];
	[tilespmem:s20+$0x0 ss:$0x81] =	vst.msk $0xffff, v0;
	s20 =	sadd.s32 s23, s18;
	(pc) =	sbr.rel @p1 .LBB1_3-.Ltmp3, $4  }
0x45: {  	v2 =	vld [tilespmem:s19+$0x10];
	[tilespmem:s20+$0x3870 ss:$0x81] =	vst.msk $0xffff, v4  }
0x46: {  	[tilespmem:s20+$0x810 ss:$0x81] =	vst.msk $0xffff, v5;
	v3 =	vld [tilespmem:s19+$0x20]  }
0x47: {  	v0 =	vld [tilespmem:s19+$0xFFFFFFC0];
	[tilespmem:s20+$0x1020 ss:$0x81] =	vst.msk $0xffff, v6;
	s19 =	sadd.s32 $0x80, s19  }
0x48: {  	s22 =	sadd.s32 $0x4, s22;
	v4 =	vld [tilespmem:s19+$0x30];
	[tilespmem:s20+$0x1830 ss:$0x81] =	vst.msk $0xffff, v7  }
.Ltmp4:
0x49: {  	_ = 	snop;
	(pc) =	sbr.rel .LBB1_4-.Ltmp4, $1  }
0x4a: {  	_ =	sdelay $0x3  }
.LBB1_6:
0x4b: {  	_ =	sfence.sel $0x180000  }
0x4c: {  	s2 =	simm.s32 $0x1;
	[bflag:$0x0] =	sbarrier.arrive $0xFFFF  }
0x4d: {  	s31 =	simm.s32 $0x2;
	[sflag:s2] =	ssyncpa.u1 $0x1  }
0x4e: {  	[sflag:s31] =	ssyncpa.u1 $0x1  }
0x4f: {  	p0 =	sne.s32 s0, $0x0;
	_ =	strace $0x9000004D  }
0x50: {  	s0 =	sadd.s32 @!p0 $0x100000, s1;
	[bflag:$0x2] =	sbarrier.arrive $0xFFFF  }
0x51: {  	[sflag:s0] =	ssyncadd.tile.s32 @!p0 $0x1;
	_ =	shalt  }
.Lfunc_end1:
_tile_overlayer_lowered:
.L_overlay_start_2:
0x52: {  	(tag) =	ssettag $0x2  }
0x53: {  	s0 =	rddreg [dreg:$0x0];
	s2 =	stileid.u32  }
0x54: {  	s1 =	rddreg [dreg:$0x1];
	p0 =	sne.s32 s2, $0x0  }
0x55: {  	s3 =	rddreg [dreg:$0x2];
	[bflag:$0x3] =	sbarrier.arrive $0xFFFF;
	s2 =	simm.s32 @!p0 $0x1C01  }
0x56: {  	[timem:s3], [sflag:s2] =	dma.local @!p0 [hbm:s0], s1  }
0x57: {  	s0 =	simm.s32 @!p0 $0x1  }
0x58: {  	_ =	swait.ge @!p0 [sflag:s0], s1  }
0x59: {  	s1 =	ssub.s32 @!p0 $0x0, s1;
	[sflag:s0] =	ssyncset.done @!p0 $0x0  }
0x5a: {  	[sflag:s0] =	ssyncadd.s32 @!p0 s1  }
0x5b: {  	[bflag:$0x3] =	sbarrier.arrive $0xFFFF  }
0x5c: {  	_ =	shalt  }

// kernel: sparse-core-data-format-call.7.cloned.1.call-start
scs
called_computation.7_lowered:
.L_overlay_start_0:
0x0: {  	s2 =	sld [smem:$0x3FD9]  }
0x1: {  	s3 =	sld [smem:$0x3FFE];
	_ =	sdelay $0x1  }
0x2: {  	s1 =	srdreg.scid  }
0x3: {  	s0 =	sand.u32 $0x1, s1  }
0x4: {  	s18 =	sshll.u32 s0, $0xA;
	s2 =	sadd.s32 s3, s2  }
0x5: {  	s2 =	sadd.s32 s2, s18  }
0x6: {  	[smem:$0x3FA9] =	sst s2  }
0x7: {  	_ = 	snop  }
0x8: {  	(tm) =	ssettm $0x1  }
0x9: {  	s19 =	sld [smem:$0x3FFB];
	_ =	sdelay $0x3  }
0xa: {  	_ =	strace s19  }
0xb: {  	s2 =	sld [smem:$0x3FFC];
	_ =	sdelay $0x3  }
0xc: {  	_ =	strace s2  }
0xd: {  	s2 =	sld [smem:$0x3FFD];
	_ =	sdelay $0x3  }
0xe: {  	_ =	strace s2  }
0xf: {  	_ =	strace $0x8FFFFFFF  }
0x10: {  	s20 =	sld [smem:$0x3FDB];
	_ =	sdelay $0x1  }
0x11: {  	s21 =	simm.s32 $_scs_section_size  }
0x12: {  	s4 =	simm.s32 $_size__tile_overlayer_lowered;
	s5 =	simm.s32 $_tile_overlayer_lowered  }
0x13: {  	s6 =	simm.s32 $0x1BFF;
	s22 =	sshll.u32 s5, $0x1;
	s3 =	sadd.s32 s21, s20  }
0x14: {  	s23 =	simm.s32 $0x0;
	s4 =	sshll.u32 s4, $0x1;
	s5 =	sadd.s32 s22, s3  }
0x15: {  	[timem:s23], [sflag:s6] =	dma.local [hbm:s5], s4  }
0x16: {  	_ =	swait.ge [sflag:s6], s4  }
0x17: {  	s4 =	ssub.s32 $0x0, s4;
	[sflag:s6] =	ssyncset.done $0x0  }
0x18: {  	[sflag:s6] =	ssyncadd.s32 s4;
	_ =	sdelay $0x1  }
0x19: {  	s24 =	simm.s32 $0x1B8B  }
0x1a: {  	_ =	swait.ge [sflag:s24], $0x1  }
0x1b: {  	[sflag:s24] =	ssyncset.done $0x0  }
0x1c: {  	[sflag:s24] =	ssyncadd.s32 $0xFFFFFFFF  }
0x1d: {  	s4 =	sld [smem:$0x0]  }
0x1e: {  	s5 =	sand.u32 $0xFFFFFFFE, s1  }
0x1f: {  	p0 =	sne.s32 s1, s5  }
0x20: {  	s5 =	sshll.u32 @p0 s5, $0xE  }
0x21: {  	s5 =	sadd.s32 @p0 $0x11B8D, s5;
	s6 =	sshll.u32 @p0 s4, $0x11  }
0x22: {  	s5 =	sor.u32 @p0 s6, s5  }
0x23: {  	[sflag:s5] =	ssyncadd.remote.s32 @p0 $0x1;
	_ =	sdelay $0x1  }
0x24: {  	s5 =	simm.s32 @p0 $0x1B8D  }
0x25: {  	_ =	swait.eq @p0 [sflag:s5], $0x1  }
0x26: {  	[sflag:s5] =	ssyncadd.s32 @p0 $0xFFFFFFFF  }
0x27: {  	s6 =	sshll.u32 @!p0 s1, $0xE  }
0x28: {  	s6 =	sor.u32 @!p0 $0x4000, s6;
	s5 =	simm.s32 @!p0 $0x1B8D  }
0x29: {  	s4 =	sshll.u32 @!p0 s4, $0x11;
	s6 =	sadd.s32 @!p0 $0x11B8D, s6;
	_ =	swait.eq @!p0 [sflag:s5], $0x1  }
0x2a: {  	s4 =	sor.u32 @!p0 s4, s6;
	[sflag:s5] =	ssyncadd.s32 @!p0 $0xFFFFFFFF  }
0x2b: {  	s26 =	simm.s32 $0x1B8E;
	s25 =	sld [smem:$0x3FFE];
	[sflag:s4] =	ssyncadd.remote.s32 @!p0 $0x1  }
0x2c: {  	s27 =	simm.s32 $execute0_lowered;
	[smem:$0x3FD2] =	sst s26  }
0x2d: {  	s5 =	sshll.u32 s27, $0x1;
	_ =	strace $0x8000004F;
	[dreg:$0x1] =	wrdreg $0xFFFFFFFF  }
0x2e: {  	s28 =	simm.s32 $_size_execute0_lowered;
	s3 =	sadd.s32 s3, s5;
	[dreg:$0x0] =	wrdreg $0x0  }
0x2f: {  	s5 =	sshll.u32 s28, $0x1;
	[dreg:$0x2] =	wrdreg s3  }
0x30: {  	[dreg:$0x3] =	wrdreg s5  }
0x31: {  	[dreg:$0x4] =	wrdreg $0xC0  }
0x32: {  	_ =	task [dreg:s23], $0x5FFFF  }
0x33: {  	[dreg:$0x1] =	wrdreg $0xFFFFFFFF  }
0x34: {  	[dreg:$0x0] =	wrdreg $0x60  }
0x35: {  	[dreg:$0x2] =	wrdreg s25  }
0x36: {  	[dreg:$0x3] =	wrdreg $0xA  }
0x37: {  	_ =	task.clear_ibuf [dreg:s23], $0x4FFFF;
	_ =	strace $0x9000004F  }
0x38: {  	s29 =	simm.s32 $0xA;
	_ =	strace $0x80000051  }
0x39: {  	_ =	swait.ge [sflag:s29], $0x1  }
0x3a: {  	[sflag:s29] =	ssyncadd.s32 $0xFFFFFFFF  }
0x3b: {  	_ =	strace $0x90000051  }
0x3c: {  	_ =	sfence  }
0x3d: {  	s30 =	sld [smem:$0x0];
	_ =	sdelay $0x2  }
0x3e: {  	s31 =	sshll.u32 s1, $0xD;
	s1 =	sshrl.u32 s1, $0x2  }
0x3f: {  	s4 =	sand.u32 $0x4000, s31;
	s1 =	sadd.s32 s1, s30  }
0x40: {  	s0 =	sor.u32 s4, s0;
	s1 =	sshll.u32 s1, $0x11  }
0x41: {  	s0 =	sor.u32 s1, s0  }
0x42: {  	s0 =	sadd.s32 $0x8F2B, s0  }
0x43: {  	[sflag:s0] =	ssyncadd.remote.s32 $0x1  }
0x44: {  	_ =	sfence.sel $0xFFFF  }
0x45: {  	[dreg:$0x0] =	wrdreg $0xFFFFFFFF;
	(pc) =	sbr.abs _section_cstart, $3  }
0x46: {  	[dreg:$0x1] =	wrdreg $0xFFFFFFFF  }
0x47: {  	_ =	task.clear_ibuf [dreg:s23], $0x2FFFF;
	_ =	strace $0x9FFFFFFF  }
0x48: {  	(tm) =	ssettm $0x7FFFFFFF  }
0x49: {  	_ =	shalt  }
tec
execute0_lowered:
.L_overlay_start_1:
0x0: {  	(tag) =	ssettag $0x1  }
0x1: {  	s0 =	stileid.u32;
	s1 =	srdreg.scid  }
0x2: {  	s4 =	rddreg [dreg:$0x0];
	s7 =	simm.s32 $0x1;
	s31 =	simm.s32 $0x2  }
0x3: {  	s16 =	simm.s32 $0x0;
	s2 =	sshll.u32 s0, $0x5;
	s1 =	sshll.u32 s1, $0x9  }
0x4: {  	s9 =	simm.s32 $0x4000;
	s14 =	simm.s32 $0x0;
	s1 =	sor.u32 s2, s1  }
0x5: {  	s15 =	simm.s32 $0x0;
	s10 =	simm.s32 $0x0;
	s2 =	sand.u32 $0x380, s1  }
0x6: {  	s13 =	simm.s32 $0x0;
	s3 =	sadd.s32 $0x652000, s4;
	s5 =	ssub.s32 $0x800, s2  }
0x7: {  	s4 =	sadd.s32 $0x852000, s4;
	s1 =	rddreg [dreg:$0x1];
	s6 =	sand.u32 $0x380, s5  }
.Ltmp0:
0x8: {  	_ =	strace $0x80000050;
	p0 =	sne.s32 s6, $0x0;
	(pc) =	sbr.rel .LBB1_1-.Ltmp0, $4  }
0x9: {  	s11 =	smov.u32 s2;
	s8 =	sshrl.u32 s5, $0xA;
	s7 =	simm.s32 @!p0 $0x0  }
0xa: {  	s5 =	sand.u32 $0x3, s0;
	s6 =	simm.s32 $0x1;
	s7 =	sadd.s32 s7, s8  }
0xb: {  	s12 =	smov.u32 s5;
	[sflag:s6] =	ssyncpa.u1 $0x0;
	s7 =	sshll.u32 s7, $0x4  }
0xc: {  	p0 =	por $0x0, $0x0;
	[sflag:s31] =	ssyncpa.u1 $0x0;
	s8 =	sor.u32 $0x1, s7  }
.LBB1_4:
0xd: {  	v5 =	vld [tilespmem:s19+$0xFFFFFFD0]  }
0xe: {  	[tilespmem:s20+$0x2040 ss:$0x81] =	vst.msk $0xffff, v1;
	v58 =	vld [tilespmem:s19+$0xFFFFFFE0]  }
0xf: {  	[tilespmem:s20+$0x2850 ss:$0x81] =	vst.msk $0xffff, v2;
	v59 =	vld [tilespmem:s19+$0xFFFFFFF0]  }
0x10: {  	s21 =	sshra.s32 s21, $0x2;
	[tilespmem:s20+$0x3060 ss:$0x81] =	vst.msk $0xffff, v3;
	v60 =	vld [tilespmem:s19+$0x0]  }
0x11: {  	[tilespmem:s20+$0x0 ss:$0x81] =	vst.msk $0xffff, v0;
	v61 =	vld [tilespmem:s19+$0x10];
	s18 =	sadd.s32 s21, s18  }
0x12: {  	s26 =	sshll.u32 s16, $0xB;
	v62 =	vld [tilespmem:s19+$0x20];
	[tilespmem:s18+$0x3870 ss:$0x81] =	vst.msk $0xffff, v4  }
0x13: {  	s27 =	sand.u32 $0x78, s14;
	s22 =	sshll.u32 s14, $0x3;
	v63 =	vld [tilespmem:s19+$0xFFFFFFC0];
	s29 =	sshll.u32 s16, $0x7;
	[tilespmem:s18+$0x810 ss:$0x81] =	vst.msk $0xffff, v5  }
0x14: {  	s15 =	sshll.u32 s15, $0x13;
	s20 =	sand.u32 $0x3FC000, s26;
	s28 =	sand.u32 $0x3FFC00, s22;
	[tilespmem:s18+$0x1020 ss:$0x81] =	vst.msk $0xffff, v58  }
0x15: {  	s31 =	sand.u32 $0x7, s14;
	s22 =	sand.u32 $0x400, s22;
	s19 =	sadd.s32 s28, s20;
	[tilespmem:s18+$0x1830 ss:$0x81] =	vst.msk $0xffff, v59  }
0x16: {  	s16 =	sand.u32 $0x380, s29;
	s30 =	sor.u32 s27, s22;
	s19 =	sshrl.u32 s19, $0x3;
	[tilespmem:s18+$0x2040 ss:$0x81] =	vst.msk $0xffff, v60  }
0x17: {  	s15 =	sadd.s32 s4, s15;
	s16 =	sor.u32 s16, s30;
	s19 =	sand.u32 $0x7FF00, s19;
	[tilespmem:s18+$0x2850 ss:$0x81] =	vst.msk $0xffff, v61  }
0x18: {  	s14 =	sshll.u32 s31, $0x12;
	s16 =	sshrl.u32 s16, $0x3;
	[tilespmem:s18+$0x3060 ss:$0x81] =	vst.msk $0xffff, v62;
	s15 =	sadd.s32 s19, s15  }
0x19: {  	s14 =	sor.u32 $0x400, s14;
	[tilespmem:s18+$0x0 ss:$0x81] =	vst.msk $0xffff, v63;
	s15 =	sadd.s32 s16, s15  }
0x1a: {  	[hbm4b:s15+s14] =	stream.strided.scatter [tilespmem:s17], [sflag:$0x2], $0x4000, s9, s14, $0x20;
	[tilespmem:$0x10100] =	vst v63  }
.LBB1_5:
0x1b: {  	s17 =	sadd.s32 $0x80, s10  }
0x1c: {  	s14 =	sadd.s32 $0x400, s11;
	s18 =	smov.u32 s11;
	p2 =	sgt.s32 s17, $0x7FF  }
0x1d: {  	s18 =	smov.u32 @p2 s14  }
0x1e: {  	s20 =	smov.u32 s12;
	s14 =	sadd.s32 $0x4, s12;
	p3 =	sgt.s32 s18, $0x7FF  }
0x1f: {  	s20 =	smov.u32 @p3 s14  }
0x20: {  	s17 =	simm.s32 @p2 $0x0;
	p2 =	sgt.s32 s20, $0x3  }
0x21: {  	p1 =	slt.u32 s13, $0x2;
	s20 =	smov.u32 @p2 s5;
	p2 =	sne.s32 s13, s8  }
.Ltmp1:
0x22: {  	s19 =	simm.s32 @!p1 $0x2;
	(pc) =	sbr.rel @!p2 .LBB1_6-.Ltmp1, $4  }
0x23: {  	s16 =	smov.u32 s10;
	s15 =	smov.u32 s12;
	_ =	swait.ge @!p1 [sflag:s19], $0x4000  }
0x24: {  	p0 =	por !p0, !p0;
	[sflag:s19] =	ssyncset.done @!p1 $0x0;
	s10 =	smov.u32 s17  }
0x25: {  	s18 =	smov.u32 @p3 s2;
	s14 =	smov.u32 s11;
	[sflag:s19] =	ssyncadd.s32 @!p1 $0xFFFFC000  }
0x26: {  	s11 =	smov.u32 s18;
	s13 =	sadd.s32 $0x1, s13;
	s12 =	smov.u32 s20  }
.LBB1_1:
0x27: {  	p1 =	sge.u32 s13, s7;
	s31 =	sadd.s32 $0xFFFFFFFF, s13  }
0x28: {  	s17 =	sxor.u32 @!p1 $0xFFFFFFFF, s13;
	s18 =	sand.u32 @!p1 $0x78, s10;
	s19 =	sshll.u32 @!p1 s11, $0xB  }
0x29: {  	s20 =	sshll.u32 @!p1 s11, $0x7;
	s21 =	sshll.u32 @!p1 s10, $0x3;
	s17 =	sshll.u32 @!p1 s17, $0xE  }
0x2a: {  	s19 =	sand.u32 @!p1 $0x3FC000, s19;
	s20 =	sand.u32 @!p1 $0x380, s20;
	s17 =	sand.u32 @!p1 $0x4000, s17  }
0x2b: {  	s19 =	sadd.s32 @!p1 s19, s21;
	s21 =	sand.u32 @!p1 $0x400, s21;
	s18 =	sor.u32 @!p1 s20, s18  }
0x2c: {  	s20 =	sshll.u32 @!p1 s12, $0x13;
	s18 =	sor.u32 @!p1 s21, s18;
	s19 =	sshrl.u32 @!p1 s19, $0x3  }
0x2d: {  	s20 =	sadd.s32 @!p1 s3, s20;
	s21 =	sand.u32 @!p1 $0x7, s10;
	s19 =	sand.u32 @!p1 $0x7FF00, s19  }
0x2e: {  	s18 =	sshrl.u32 @!p1 s18, $0x3;
	s19 =	sadd.s32 @!p1 s19, s20;
	s20 =	sshll.u32 @!p1 s21, $0x12  }
0x2f: {  	s18 =	sadd.s32 @!p1 s18, s19;
	s19 =	sor.u32 @!p1 $0x400, s20;
	s20 =	simm.s32 @!p1 $0x4000  }
0x30: {  	[tilespmem:s17], [sflag:$0x1] =	stream.strided.gather @!p1 [hbm4b:s18+s19], $0x4000, s20, s19, $0x38;
	[tilespmem:$0x10100] =	vst v63  }
0x31: {  	p1 =	sge.u32 s31, s7  }
.Ltmp2:
0x32: {  	_ = 	snop;
	(pc) =	sbr.rel @p1 .LBB1_5-.Ltmp2, $1  }
0x33: {  	_ =	sdelay $0x3  }
0x34: {  	s17 =	simm.s32 $0x1  }
0x35: {  	_ =	swait.ge [sflag:s6], $0x4000;
	s17 =	simm.s32 @!p0 $0x0  }
0x36: {  	[sflag:s6] =	ssyncset.done $0x0;
	s18 =	sshll.u32 s17, $0xE  }
0x37: {  	[sflag:s6] =	ssyncadd.s32 $0xFFFFC000;
	s19 =	sor.u32 $0x40, s18  }
0x38: {  	s17 =	smul.u32 $0x10200, s17;
	v0 =	vld [tilespmem:s19+$0x30]  }
0x39: {  	v3 =	vld [tilespmem:s19+$0xFFFFFFD0]  }
0x3a: {  	s17 =	sshrl.u32 s17, $0x2;
	v4 =	vld [tilespmem:s19+$0xFFFFFFE0]  }
0x3b: {  	v5 =	vld [tilespmem:s19+$0xFFFFFFF0];
	s18 =	sor.u32 $0x8000, s17  }
0x3c: {  	s31 =	sand.u32 $0x1, s13;
	v1 =	vld [tilespmem:s19+$0x0];
	s20 =	sadd.s32 $0x0, s18  }
0x3d: {  	v2 =	vld [tilespmem:s19+$0x10];
	s17 =	smul.u32 $0x10200, s31;
	[tilespmem:s20+$0x3870 ss:$0x81] =	vst.msk $0xffff, v0  }
0x3e: {  	[tilespmem:s20+$0x810 ss:$0x81] =	vst.msk $0xffff, v3;
	v3 =	vld [tilespmem:s19+$0x20]  }
0x3f: {  	s17 =	sshrl.u32 s17, $0x2;
	v0 =	vld [tilespmem:s19+$0xFFFFFFC0];
	[tilespmem:s20+$0x1020 ss:$0x81] =	vst.msk $0xffff, v4;
	s19 =	sadd.s32 $0x80, s19  }
0x40: {  	s21 =	simm.s32 $0x4;
	s22 =	simm.s32 $0x8;
	s17 =	sor.u32 $0x8000, s17;
	[tilespmem:s20+$0x1830 ss:$0x81] =	vst.msk $0xffff, v5;
	v4 =	vld [tilespmem:s19+$0x30]  }
.LBB1_3:
0x41: {  	p1 =	sne.s32 s22, $0x1FC;
	v5 =	vld [tilespmem:s19+$0xFFFFFFD0];
	[tilespmem:s20+$0x2040 ss:$0x81] =	vst.msk $0xffff, v1  }
0x42: {  	v6 =	vld [tilespmem:s19+$0xFFFFFFE0];
	[tilespmem:s20+$0x2850 ss:$0x81] =	vst.msk $0xffff, v2  }
0x43: {  	s23 =	sshra.s32 s21, $0x2;
	s21 =	smov.u32 s22;
	v7 =	vld [tilespmem:s19+$0xFFFFFFF0];
	[tilespmem:s20+$0x3060 ss:$0x81] =	vst.msk $0xffff, v3  }
.Ltmp3:
0x44: {  	v1 =	vld [tilespmem:s19+$0x0];
	[tilespmem:s20+$0x0 ss:$0x81] =	vst.msk $0xffff, v0;
	s20 =	sadd.s32 s23, s18;
	(pc) =	sbr.rel @p1 .LBB1_3-.Ltmp3, $4  }
0x45: {  	v2 =	vld [tilespmem:s19+$0x10];
	[tilespmem:s20+$0x3870 ss:$0x81] =	vst.msk $0xffff, v4  }
0x46: {  	[tilespmem:s20+$0x810 ss:$0x81] =	vst.msk $0xffff, v5;
	v3 =	vld [tilespmem:s19+$0x20]  }
0x47: {  	v0 =	vld [tilespmem:s19+$0xFFFFFFC0];
	[tilespmem:s20+$0x1020 ss:$0x81] =	vst.msk $0xffff, v6;
	s19 =	sadd.s32 $0x80, s19  }
0x48: {  	s22 =	sadd.s32 $0x4, s22;
	v4 =	vld [tilespmem:s19+$0x30];
	[tilespmem:s20+$0x1830 ss:$0x81] =	vst.msk $0xffff, v7  }
.Ltmp4:
0x49: {  	_ = 	snop;
	(pc) =	sbr.rel .LBB1_4-.Ltmp4, $1  }
0x4a: {  	_ =	sdelay $0x3  }
.LBB1_6:
0x4b: {  	_ =	sfence.sel $0x180000  }
0x4c: {  	s2 =	simm.s32 $0x1;
	[bflag:$0x0] =	sbarrier.arrive $0xFFFF  }
0x4d: {  	s31 =	simm.s32 $0x2;
	[sflag:s2] =	ssyncpa.u1 $0x1  }
0x4e: {  	[sflag:s31] =	ssyncpa.u1 $0x1  }
0x4f: {  	p0 =	sne.s32 s0, $0x0;
	_ =	strace $0x90000050  }
0x50: {  	s0 =	sadd.s32 @!p0 $0x100000, s1;
	[bflag:$0x2] =	sbarrier.arrive $0xFFFF  }
0x51: {  	[sflag:s0] =	ssyncadd.tile.s32 @!p0 $0x1;
	_ =	shalt  }
.Lfunc_end1:
_tile_overlayer_lowered:
.L_overlay_start_2:
0x52: {  	(tag) =	ssettag $0x2  }
0x53: {  	s0 =	rddreg [dreg:$0x0];
	s2 =	stileid.u32  }
0x54: {  	s1 =	rddreg [dreg:$0x1];
	p0 =	sne.s32 s2, $0x0  }
0x55: {  	s3 =	rddreg [dreg:$0x2];
	[bflag:$0x3] =	sbarrier.arrive $0xFFFF;
	s2 =	simm.s32 @!p0 $0x1C01  }
0x56: {  	[timem:s3], [sflag:s2] =	dma.local @!p0 [hbm:s0], s1  }
0x57: {  	s0 =	simm.s32 @!p0 $0x1  }
0x58: {  	_ =	swait.ge @!p0 [sflag:s0], s1  }
0x59: {  	s1 =	ssub.s32 @!p0 $0x0, s1;
	[sflag:s0] =	ssyncset.done @!p0 $0x0  }
0x5a: {  	[sflag:s0] =	ssyncadd.s32 @!p0 s1  }
0x5b: {  	[bflag:$0x3] =	sbarrier.arrive $0xFFFF  }
0x5c: {  	_ =	shalt  }

// kernel: sparse-core-data-format-call.8.cloned.1.call-start
scs
called_computation.8_lowered:
.L_overlay_start_0:
0x0: {  	s2 =	sld [smem:$0x3FD9]  }
0x1: {  	s3 =	sld [smem:$0x3FFE];
	_ =	sdelay $0x1  }
0x2: {  	s1 =	srdreg.scid  }
0x3: {  	s0 =	sand.u32 $0x1, s1  }
0x4: {  	s18 =	sshll.u32 s0, $0xA;
	s2 =	sadd.s32 s3, s2  }
0x5: {  	s2 =	sadd.s32 s2, s18  }
0x6: {  	[smem:$0x3FA9] =	sst s2  }
0x7: {  	_ = 	snop  }
0x8: {  	(tm) =	ssettm $0x1  }
0x9: {  	s19 =	sld [smem:$0x3FFB];
	_ =	sdelay $0x3  }
0xa: {  	_ =	strace s19  }
0xb: {  	s2 =	sld [smem:$0x3FFC];
	_ =	sdelay $0x3  }
0xc: {  	_ =	strace s2  }
0xd: {  	s2 =	sld [smem:$0x3FFD];
	_ =	sdelay $0x3  }
0xe: {  	_ =	strace s2  }
0xf: {  	_ =	strace $0x8FFFFFFF  }
0x10: {  	s20 =	sld [smem:$0x3FDB];
	_ =	sdelay $0x1  }
0x11: {  	s21 =	simm.s32 $_scs_section_size  }
0x12: {  	s4 =	simm.s32 $_size__tile_overlayer_lowered;
	s5 =	simm.s32 $_tile_overlayer_lowered  }
0x13: {  	s6 =	simm.s32 $0x1BFF;
	s22 =	sshll.u32 s5, $0x1;
	s3 =	sadd.s32 s21, s20  }
0x14: {  	s23 =	simm.s32 $0x0;
	s4 =	sshll.u32 s4, $0x1;
	s5 =	sadd.s32 s22, s3  }
0x15: {  	[timem:s23], [sflag:s6] =	dma.local [hbm:s5], s4  }
0x16: {  	_ =	swait.ge [sflag:s6], s4  }
0x17: {  	s4 =	ssub.s32 $0x0, s4;
	[sflag:s6] =	ssyncset.done $0x0  }
0x18: {  	[sflag:s6] =	ssyncadd.s32 s4;
	_ =	sdelay $0x1  }
0x19: {  	s24 =	simm.s32 $0x1B8B  }
0x1a: {  	_ =	swait.ge [sflag:s24], $0x1  }
0x1b: {  	[sflag:s24] =	ssyncset.done $0x0  }
0x1c: {  	[sflag:s24] =	ssyncadd.s32 $0xFFFFFFFF  }
0x1d: {  	s4 =	sld [smem:$0x0]  }
0x1e: {  	s5 =	sand.u32 $0xFFFFFFFE, s1  }
0x1f: {  	p0 =	sne.s32 s1, s5  }
0x20: {  	s5 =	sshll.u32 @p0 s5, $0xE  }
0x21: {  	s5 =	sadd.s32 @p0 $0x11B8D, s5;
	s6 =	sshll.u32 @p0 s4, $0x11  }
0x22: {  	s5 =	sor.u32 @p0 s6, s5  }
0x23: {  	[sflag:s5] =	ssyncadd.remote.s32 @p0 $0x1;
	_ =	sdelay $0x1  }
0x24: {  	s5 =	simm.s32 @p0 $0x1B8D  }
0x25: {  	_ =	swait.eq @p0 [sflag:s5], $0x1  }
0x26: {  	[sflag:s5] =	ssyncadd.s32 @p0 $0xFFFFFFFF  }
0x27: {  	s6 =	sshll.u32 @!p0 s1, $0xE  }
0x28: {  	s6 =	sor.u32 @!p0 $0x4000, s6;
	s5 =	simm.s32 @!p0 $0x1B8D  }
0x29: {  	s4 =	sshll.u32 @!p0 s4, $0x11;
	s6 =	sadd.s32 @!p0 $0x11B8D, s6;
	_ =	swait.eq @!p0 [sflag:s5], $0x1  }
0x2a: {  	s4 =	sor.u32 @!p0 s4, s6;
	[sflag:s5] =	ssyncadd.s32 @!p0 $0xFFFFFFFF  }
0x2b: {  	s26 =	simm.s32 $0x1B8E;
	s25 =	sld [smem:$0x3FFE];
	[sflag:s4] =	ssyncadd.remote.s32 @!p0 $0x1  }
0x2c: {  	s27 =	simm.s32 $execute0_lowered;
	[smem:$0x3FD2] =	sst s26  }
0x2d: {  	s5 =	sshll.u32 s27, $0x1;
	_ =	strace $0x80000049;
	[dreg:$0x1] =	wrdreg $0xFFFFFFFF  }
0x2e: {  	s28 =	simm.s32 $_size_execute0_lowered;
	s3 =	sadd.s32 s3, s5;
	[dreg:$0x0] =	wrdreg $0x0  }
0x2f: {  	s5 =	sshll.u32 s28, $0x1;
	[dreg:$0x2] =	wrdreg s3  }
0x30: {  	[dreg:$0x3] =	wrdreg s5  }
0x31: {  	[dreg:$0x4] =	wrdreg $0xC0  }
0x32: {  	_ =	task [dreg:s23], $0x5FFFF  }
0x33: {  	[dreg:$0x1] =	wrdreg $0xFFFFFFFF  }
0x34: {  	[dreg:$0x0] =	wrdreg $0x60  }
0x35: {  	[dreg:$0x2] =	wrdreg s25  }
0x36: {  	[dreg:$0x3] =	wrdreg $0x9  }
0x37: {  	_ =	task.clear_ibuf [dreg:s23], $0x4FFFF;
	_ =	strace $0x90000049  }
0x38: {  	s29 =	simm.s32 $0x9;
	_ =	strace $0x8000004B  }
0x39: {  	_ =	swait.ge [sflag:s29], $0x1  }
0x3a: {  	[sflag:s29] =	ssyncadd.s32 $0xFFFFFFFF  }
0x3b: {  	_ =	strace $0x9000004B  }
0x3c: {  	_ =	sfence  }
0x3d: {  	s30 =	sld [smem:$0x0];
	_ =	sdelay $0x2  }
0x3e: {  	s31 =	sshll.u32 s1, $0xD;
	s1 =	sshrl.u32 s1, $0x2  }
0x3f: {  	s4 =	sand.u32 $0x4000, s31;
	s1 =	sadd.s32 s1, s30  }
0x40: {  	s0 =	sor.u32 s4, s0;
	s1 =	sshll.u32 s1, $0x11  }
0x41: {  	s0 =	sor.u32 s1, s0  }
0x42: {  	s0 =	sadd.s32 $0x8F2B, s0  }
0x43: {  	[sflag:s0] =	ssyncadd.remote.s32 $0x1  }
0x44: {  	_ =	sfence.sel $0xFFFF  }
0x45: {  	[dreg:$0x0] =	wrdreg $0xFFFFFFFF;
	(pc) =	sbr.abs _section_cstart, $3  }
0x46: {  	[dreg:$0x1] =	wrdreg $0xFFFFFFFF  }
0x47: {  	_ =	task.clear_ibuf [dreg:s23], $0x2FFFF;
	_ =	strace $0x9FFFFFFF  }
0x48: {  	(tm) =	ssettm $0x7FFFFFFF  }
0x49: {  	_ =	shalt  }
tec
execute0_lowered:
.L_overlay_start_1:
0x0: {  	(tag) =	ssettag $0x1  }
0x1: {  	s0 =	stileid.u32;
	s1 =	srdreg.scid  }
0x2: {  	s4 =	rddreg [dreg:$0x0];
	s7 =	simm.s32 $0x1;
	s31 =	simm.s32 $0x2  }
0x3: {  	s16 =	simm.s32 $0x0;
	s2 =	sshll.u32 s0, $0x5;
	s1 =	sshll.u32 s1, $0x9  }
0x4: {  	s9 =	simm.s32 $0x4000;
	s14 =	simm.s32 $0x0;
	s1 =	sor.u32 s2, s1  }
0x5: {  	s15 =	simm.s32 $0x0;
	s10 =	simm.s32 $0x0;
	s2 =	sand.u32 $0x380, s1  }
0x6: {  	s13 =	simm.s32 $0x0;
	s3 =	sadd.s32 $0x440000, s4;
	s5 =	ssub.s32 $0x800, s2  }
0x7: {  	s4 =	sadd.s32 $0x640000, s4;
	s1 =	rddreg [dreg:$0x1];
	s6 =	sand.u32 $0x380, s5  }
.Ltmp0:
0x8: {  	_ =	strace $0x8000004A;
	p0 =	sne.s32 s6, $0x0;
	(pc) =	sbr.rel .LBB1_1-.Ltmp0, $4  }
0x9: {  	s11 =	smov.u32 s2;
	s8 =	sshrl.u32 s5, $0xA;
	s7 =	simm.s32 @!p0 $0x0  }
0xa: {  	s5 =	sand.u32 $0x3, s0;
	s6 =	simm.s32 $0x1;
	s7 =	sadd.s32 s7, s8  }
0xb: {  	s12 =	smov.u32 s5;
	[sflag:s6] =	ssyncpa.u1 $0x0;
	s7 =	sshll.u32 s7, $0x4  }
0xc: {  	p0 =	por $0x0, $0x0;
	[sflag:s31] =	ssyncpa.u1 $0x0;
	s8 =	sor.u32 $0x1, s7  }
.LBB1_4:
0xd: {  	v5 =	vld [tilespmem:s19+$0xFFFFFFD0]  }
0xe: {  	[tilespmem:s20+$0x2040 ss:$0x81] =	vst.msk $0xffff, v1;
	v58 =	vld [tilespmem:s19+$0xFFFFFFE0]  }
0xf: {  	[tilespmem:s20+$0x2850 ss:$0x81] =	vst.msk $0xffff, v2;
	v59 =	vld [tilespmem:s19+$0xFFFFFFF0]  }
0x10: {  	s21 =	sshra.s32 s21, $0x2;
	[tilespmem:s20+$0x3060 ss:$0x81] =	vst.msk $0xffff, v3;
	v60 =	vld [tilespmem:s19+$0x0]  }
0x11: {  	[tilespmem:s20+$0x0 ss:$0x81] =	vst.msk $0xffff, v0;
	v61 =	vld [tilespmem:s19+$0x10];
	s18 =	sadd.s32 s21, s18  }
0x12: {  	s26 =	sshll.u32 s16, $0xB;
	v62 =	vld [tilespmem:s19+$0x20];
	[tilespmem:s18+$0x3870 ss:$0x81] =	vst.msk $0xffff, v4  }
0x13: {  	s27 =	sand.u32 $0x78, s14;
	s22 =	sshll.u32 s14, $0x3;
	v63 =	vld [tilespmem:s19+$0xFFFFFFC0];
	s29 =	sshll.u32 s16, $0x7;
	[tilespmem:s18+$0x810 ss:$0x81] =	vst.msk $0xffff, v5  }
0x14: {  	s15 =	sshll.u32 s15, $0x13;
	s20 =	sand.u32 $0x3FC000, s26;
	s28 =	sand.u32 $0x3FFC00, s22;
	[tilespmem:s18+$0x1020 ss:$0x81] =	vst.msk $0xffff, v58  }
0x15: {  	s31 =	sand.u32 $0x7, s14;
	s22 =	sand.u32 $0x400, s22;
	s19 =	sadd.s32 s28, s20;
	[tilespmem:s18+$0x1830 ss:$0x81] =	vst.msk $0xffff, v59  }
0x16: {  	s16 =	sand.u32 $0x380, s29;
	s30 =	sor.u32 s27, s22;
	s19 =	sshrl.u32 s19, $0x3;
	[tilespmem:s18+$0x2040 ss:$0x81] =	vst.msk $0xffff, v60  }
0x17: {  	s15 =	sadd.s32 s4, s15;
	s16 =	sor.u32 s16, s30;
	s19 =	sand.u32 $0x7FF00, s19;
	[tilespmem:s18+$0x2850 ss:$0x81] =	vst.msk $0xffff, v61  }
0x18: {  	s14 =	sshll.u32 s31, $0x12;
	s16 =	sshrl.u32 s16, $0x3;
	[tilespmem:s18+$0x3060 ss:$0x81] =	vst.msk $0xffff, v62;
	s15 =	sadd.s32 s19, s15  }
0x19: {  	s14 =	sor.u32 $0x400, s14;
	[tilespmem:s18+$0x0 ss:$0x81] =	vst.msk $0xffff, v63;
	s15 =	sadd.s32 s16, s15  }
0x1a: {  	[hbm4b:s15+s14] =	stream.strided.scatter [tilespmem:s17], [sflag:$0x2], $0x4000, s9, s14, $0x20;
	[tilespmem:$0x10100] =	vst v63  }
.LBB1_5:
0x1b: {  	s17 =	sadd.s32 $0x80, s10  }
0x1c: {  	s14 =	sadd.s32 $0x400, s11;
	s18 =	smov.u32 s11;
	p2 =	sgt.s32 s17, $0x7FF  }
0x1d: {  	s18 =	smov.u32 @p2 s14  }
0x1e: {  	s20 =	smov.u32 s12;
	s14 =	sadd.s32 $0x4, s12;
	p3 =	sgt.s32 s18, $0x7FF  }
0x1f: {  	s20 =	smov.u32 @p3 s14  }
0x20: {  	s17 =	simm.s32 @p2 $0x0;
	p2 =	sgt.s32 s20, $0x3  }
0x21: {  	p1 =	slt.u32 s13, $0x2;
	s20 =	smov.u32 @p2 s5;
	p2 =	sne.s32 s13, s8  }
.Ltmp1:
0x22: {  	s19 =	simm.s32 @!p1 $0x2;
	(pc) =	sbr.rel @!p2 .LBB1_6-.Ltmp1, $4  }
0x23: {  	s16 =	smov.u32 s10;
	s15 =	smov.u32 s12;
	_ =	swait.ge @!p1 [sflag:s19], $0x4000  }
0x24: {  	p0 =	por !p0, !p0;
	[sflag:s19] =	ssyncset.done @!p1 $0x0;
	s10 =	smov.u32 s17  }
0x25: {  	s18 =	smov.u32 @p3 s2;
	s14 =	smov.u32 s11;
	[sflag:s19] =	ssyncadd.s32 @!p1 $0xFFFFC000  }
0x26: {  	s11 =	smov.u32 s18;
	s13 =	sadd.s32 $0x1, s13;
	s12 =	smov.u32 s20  }
.LBB1_1:
0x27: {  	p1 =	sge.u32 s13, s7;
	s31 =	sadd.s32 $0xFFFFFFFF, s13  }
0x28: {  	s17 =	sxor.u32 @!p1 $0xFFFFFFFF, s13;
	s18 =	sand.u32 @!p1 $0x78, s10;
	s19 =	sshll.u32 @!p1 s11, $0xB  }
0x29: {  	s20 =	sshll.u32 @!p1 s11, $0x7;
	s21 =	sshll.u32 @!p1 s10, $0x3;
	s17 =	sshll.u32 @!p1 s17, $0xE  }
0x2a: {  	s19 =	sand.u32 @!p1 $0x3FC000, s19;
	s20 =	sand.u32 @!p1 $0x380, s20;
	s17 =	sand.u32 @!p1 $0x4000, s17  }
0x2b: {  	s19 =	sadd.s32 @!p1 s19, s21;
	s21 =	sand.u32 @!p1 $0x400, s21;
	s18 =	sor.u32 @!p1 s20, s18  }
0x2c: {  	s20 =	sshll.u32 @!p1 s12, $0x13;
	s18 =	sor.u32 @!p1 s21, s18;
	s19 =	sshrl.u32 @!p1 s19, $0x3  }
0x2d: {  	s20 =	sadd.s32 @!p1 s3, s20;
	s21 =	sand.u32 @!p1 $0x7, s10;
	s19 =	sand.u32 @!p1 $0x7FF00, s19  }
0x2e: {  	s18 =	sshrl.u32 @!p1 s18, $0x3;
	s19 =	sadd.s32 @!p1 s19, s20;
	s20 =	sshll.u32 @!p1 s21, $0x12  }
0x2f: {  	s18 =	sadd.s32 @!p1 s18, s19;
	s19 =	sor.u32 @!p1 $0x400, s20;
	s20 =	simm.s32 @!p1 $0x4000  }
0x30: {  	[tilespmem:s17], [sflag:$0x1] =	stream.strided.gather @!p1 [hbm4b:s18+s19], $0x4000, s20, s19, $0x38;
	[tilespmem:$0x10100] =	vst v63  }
0x31: {  	p1 =	sge.u32 s31, s7  }
.Ltmp2:
0x32: {  	_ = 	snop;
	(pc) =	sbr.rel @p1 .LBB1_5-.Ltmp2, $1  }
0x33: {  	_ =	sdelay $0x3  }
0x34: {  	s17 =	simm.s32 $0x1  }
0x35: {  	_ =	swait.ge [sflag:s6], $0x4000;
	s17 =	simm.s32 @!p0 $0x0  }
0x36: {  	[sflag:s6] =	ssyncset.done $0x0;
	s18 =	sshll.u32 s17, $0xE  }
0x37: {  	[sflag:s6] =	ssyncadd.s32 $0xFFFFC000;
	s19 =	sor.u32 $0x40, s18  }
0x38: {  	s17 =	smul.u32 $0x10200, s17;
	v0 =	vld [tilespmem:s19+$0x30]  }
0x39: {  	v3 =	vld [tilespmem:s19+$0xFFFFFFD0]  }
0x3a: {  	s17 =	sshrl.u32 s17, $0x2;
	v4 =	vld [tilespmem:s19+$0xFFFFFFE0]  }
0x3b: {  	v5 =	vld [tilespmem:s19+$0xFFFFFFF0];
	s18 =	sor.u32 $0x8000, s17  }
0x3c: {  	s31 =	sand.u32 $0x1, s13;
	v1 =	vld [tilespmem:s19+$0x0];
	s20 =	sadd.s32 $0x0, s18  }
0x3d: {  	v2 =	vld [tilespmem:s19+$0x10];
	s17 =	smul.u32 $0x10200, s31;
	[tilespmem:s20+$0x3870 ss:$0x81] =	vst.msk $0xffff, v0  }
0x3e: {  	[tilespmem:s20+$0x810 ss:$0x81] =	vst.msk $0xffff, v3;
	v3 =	vld [tilespmem:s19+$0x20]  }
0x3f: {  	s17 =	sshrl.u32 s17, $0x2;
	v0 =	vld [tilespmem:s19+$0xFFFFFFC0];
	[tilespmem:s20+$0x1020 ss:$0x81] =	vst.msk $0xffff, v4;
	s19 =	sadd.s32 $0x80, s19  }
0x40: {  	s21 =	simm.s32 $0x4;
	s22 =	simm.s32 $0x8;
	s17 =	sor.u32 $0x8000, s17;
	[tilespmem:s20+$0x1830 ss:$0x81] =	vst.msk $0xffff, v5;
	v4 =	vld [tilespmem:s19+$0x30]  }
.LBB1_3:
0x41: {  	p1 =	sne.s32 s22, $0x1FC;
	v5 =	vld [tilespmem:s19+$0xFFFFFFD0];
	[tilespmem:s20+$0x2040 ss:$0x81] =	vst.msk $0xffff, v1  }
0x42: {  	v6 =	vld [tilespmem:s19+$0xFFFFFFE0];
	[tilespmem:s20+$0x2850 ss:$0x81] =	vst.msk $0xffff, v2  }
0x43: {  	s23 =	sshra.s32 s21, $0x2;
	s21 =	smov.u32 s22;
	v7 =	vld [tilespmem:s19+$0xFFFFFFF0];
	[tilespmem:s20+$0x3060 ss:$0x81] =	vst.msk $0xffff, v3  }
.Ltmp3:
0x44: {  	v1 =	vld [tilespmem:s19+$0x0];
	[tilespmem:s20+$0x0 ss:$0x81] =	vst.msk $0xffff, v0;
	s20 =	sadd.s32 s23, s18;
	(pc) =	sbr.rel @p1 .LBB1_3-.Ltmp3, $4  }
0x45: {  	v2 =	vld [tilespmem:s19+$0x10];
	[tilespmem:s20+$0x3870 ss:$0x81] =	vst.msk $0xffff, v4  }
0x46: {  	[tilespmem:s20+$0x810 ss:$0x81] =	vst.msk $0xffff, v5;
	v3 =	vld [tilespmem:s19+$0x20]  }
0x47: {  	v0 =	vld [tilespmem:s19+$0xFFFFFFC0];
	[tilespmem:s20+$0x1020 ss:$0x81] =	vst.msk $0xffff, v6;
	s19 =	sadd.s32 $0x80, s19  }
0x48: {  	s22 =	sadd.s32 $0x4, s22;
	v4 =	vld [tilespmem:s19+$0x30];
	[tilespmem:s20+$0x1830 ss:$0x81] =	vst.msk $0xffff, v7  }
.Ltmp4:
0x49: {  	_ = 	snop;
	(pc) =	sbr.rel .LBB1_4-.Ltmp4, $1  }
0x4a: {  	_ =	sdelay $0x3  }
.LBB1_6:
0x4b: {  	_ =	sfence.sel $0x180000  }
0x4c: {  	s2 =	simm.s32 $0x1;
	[bflag:$0x0] =	sbarrier.arrive $0xFFFF  }
0x4d: {  	s31 =	simm.s32 $0x2;
	[sflag:s2] =	ssyncpa.u1 $0x1  }
0x4e: {  	[sflag:s31] =	ssyncpa.u1 $0x1  }
0x4f: {  	p0 =	sne.s32 s0, $0x0;
	_ =	strace $0x9000004A  }
0x50: {  	s0 =	sadd.s32 @!p0 $0x100000, s1;
	[bflag:$0x2] =	sbarrier.arrive $0xFFFF  }
0x51: {  	[sflag:s0] =	ssyncadd.tile.s32 @!p0 $0x1;
	_ =	shalt  }
.Lfunc_end1:
_tile_overlayer_lowered:
.L_overlay_start_2:
0x52: {  	(tag) =	ssettag $0x2  }
0x53: {  	s0 =	rddreg [dreg:$0x0];
	s2 =	stileid.u32  }
0x54: {  	s1 =	rddreg [dreg:$0x1];
	p0 =	sne.s32 s2, $0x0  }
0x55: {  	s3 =	rddreg [dreg:$0x2];
	[bflag:$0x3] =	sbarrier.arrive $0xFFFF;
	s2 =	simm.s32 @!p0 $0x1C01  }
0x56: {  	[timem:s3], [sflag:s2] =	dma.local @!p0 [hbm:s0], s1  }
0x57: {  	s0 =	simm.s32 @!p0 $0x1  }
0x58: {  	_ =	swait.ge @!p0 [sflag:s0], s1  }
0x59: {  	s1 =	ssub.s32 @!p0 $0x0, s1;
	[sflag:s0] =	ssyncset.done @!p0 $0x0  }
0x5a: {  	[sflag:s0] =	ssyncadd.s32 @!p0 s1  }
0x5b: {  	[bflag:$0x3] =	sbarrier.arrive $0xFFFF  }
0x5c: {  	_ =	shalt  }

// kernel: sparse-core-data-format-call.9.cloned.1.call-start
scs
called_computation.9_lowered:
.L_overlay_start_0:
0x0: {  	s1 =	sld [smem:$0x3FD9]  }
0x1: {  	s2 =	sld [smem:$0x3FFE];
	_ =	sdelay $0x1  }
0x2: {  	s3 =	srdreg.scid  }
0x3: {  	s0 =	sand.u32 $0x1, s3  }
0x4: {  	s17 =	sshll.u32 s0, $0xA;
	s1 =	sadd.s32 s2, s1  }
0x5: {  	s1 =	sadd.s32 s1, s17  }
0x6: {  	[smem:$0x3FA9] =	sst s1  }
0x7: {  	_ = 	snop  }
0x8: {  	(tm) =	ssettm $0x1  }
0x9: {  	s18 =	sld [smem:$0x3FFB];
	_ =	sdelay $0x3  }
0xa: {  	_ =	strace s18  }
0xb: {  	s1 =	sld [smem:$0x3FFC];
	_ =	sdelay $0x3  }
0xc: {  	_ =	strace s1  }
0xd: {  	s1 =	sld [smem:$0x3FFD];
	_ =	sdelay $0x3  }
0xe: {  	_ =	strace s1  }
0xf: {  	_ =	strace $0x8FFFFFFF  }
0x10: {  	s19 =	sld [smem:$0x3FDB];
	_ =	sdelay $0x1  }
0x11: {  	s20 =	simm.s32 $_scs_section_size  }
0x12: {  	s4 =	simm.s32 $_size__tile_overlayer_lowered;
	s5 =	simm.s32 $_tile_overlayer_lowered  }
0x13: {  	s23 =	simm.s32 $0x1BFF;
	s22 =	sshll.u32 s5, $0x1;
	s1 =	sadd.s32 s20, s19  }
0x14: {  	s6 =	simm.s32 $0x0;
	s21 =	sshll.u32 s4, $0x1;
	s4 =	sadd.s32 s22, s1  }
0x15: {  	[timem:s6], [sflag:s23] =	dma.local [hbm:s4], s21  }
0x16: {  	_ =	swait.ge [sflag:s23], s21  }
0x17: {  	s2 =	ssub.s32 $0x0, s21;
	[sflag:s23] =	ssyncset.done $0x0  }
0x18: {  	[sflag:s23] =	ssyncadd.s32 s2;
	_ =	sdelay $0x1  }
0x19: {  	s24 =	simm.s32 $0x1B8B  }
0x1a: {  	_ =	swait.ge [sflag:s24], $0x1  }
0x1b: {  	[sflag:s24] =	ssyncset.done $0x0  }
0x1c: {  	s26 =	simm.s32 $0x1B8E;
	s25 =	sld [smem:$0x3FFE];
	[sflag:s24] =	ssyncadd.s32 $0xFFFFFFFF  }
0x1d: {  	s27 =	simm.s32 $execute0_lowered;
	[smem:$0x3FD2] =	sst s26  }
0x1e: {  	s4 =	sshll.u32 s27, $0x1;
	_ =	strace $0x80000046;
	[dreg:$0x1] =	wrdreg $0xFFFFFFFF  }
0x1f: {  	s28 =	simm.s32 $_size_execute0_lowered;
	s1 =	sadd.s32 s1, s4;
	[dreg:$0x0] =	wrdreg $0x0  }
0x20: {  	s4 =	sshll.u32 s28, $0x1;
	[dreg:$0x2] =	wrdreg s1  }
0x21: {  	[dreg:$0x3] =	wrdreg s4  }
0x22: {  	[dreg:$0x4] =	wrdreg $0xC0  }
0x23: {  	_ =	task [dreg:s6], $0x5FFFF  }
0x24: {  	[dreg:$0x1] =	wrdreg $0xFFFFFFFF  }
0x25: {  	[dreg:$0x0] =	wrdreg $0x60  }
0x26: {  	[dreg:$0x2] =	wrdreg s25  }
0x27: {  	[dreg:$0x3] =	wrdreg $0xA  }
0x28: {  	_ =	task.clear_ibuf [dreg:s6], $0x4FFFF;
	_ =	strace $0x90000046  }
0x29: {  	s29 =	simm.s32 $0xA;
	_ =	strace $0x80000048  }
0x2a: {  	_ =	swait.ge [sflag:s29], $0x1  }
0x2b: {  	[sflag:s29] =	ssyncadd.s32 $0xFFFFFFFF  }
0x2c: {  	_ =	strace $0x90000048  }
0x2d: {  	_ =	sfence  }
0x2e: {  	s30 =	sld [smem:$0x0];
	_ =	sdelay $0x2  }
0x2f: {  	s31 =	sshll.u32 s3, $0xD;
	s3 =	sshrl.u32 s3, $0x2  }
0x30: {  	s2 =	sand.u32 $0x4000, s31;
	s1 =	sadd.s32 s3, s30  }
0x31: {  	s0 =	sor.u32 s2, s0;
	s1 =	sshll.u32 s1, $0x11  }
0x32: {  	s0 =	sor.u32 s1, s0  }
0x33: {  	s0 =	sadd.s32 $0x8F2B, s0  }
0x34: {  	[sflag:s0] =	ssyncadd.remote.s32 $0x1  }
0x35: {  	_ =	sfence.sel $0xFFFF  }
0x36: {  	[dreg:$0x0] =	wrdreg $0xFFFFFFFF;
	(pc) =	sbr.abs _section_cstart, $3  }
0x37: {  	[dreg:$0x1] =	wrdreg $0xFFFFFFFF  }
0x38: {  	_ =	task.clear_ibuf [dreg:s6], $0x2FFFF;
	_ =	strace $0x9FFFFFFF  }
0x39: {  	(tm) =	ssettm $0x7FFFFFFF  }
tec
execute0_lowered:
.L_overlay_start_1:
0x0: {  	(tag) =	ssettag $0x1  }
0x1: {  	s0 =	stileid.u32;
	s1 =	srdreg.scid  }
0x2: {  	s4 =	rddreg [dreg:$0x0];
	s7 =	simm.s32 $0x1;
	s31 =	simm.s32 $0x2  }
0x3: {  	s16 =	simm.s32 $0x0;
	s2 =	sshll.u32 s0, $0x5;
	s1 =	sshll.u32 s1, $0x9  }
0x4: {  	s9 =	simm.s32 $0x4000;
	s14 =	simm.s32 $0x0;
	s1 =	sor.u32 s2, s1  }
0x5: {  	s15 =	simm.s32 $0x0;
	s10 =	simm.s32 $0x0;
	s2 =	sand.u32 $0x380, s1  }
0x6: {  	s13 =	simm.s32 $0x0;
	s3 =	sadd.s32 $0x20000, s4;
	s5 =	ssub.s32 $0x800, s2  }
0x7: {  	s4 =	sadd.s32 $0x220000, s4;
	s1 =	rddreg [dreg:$0x1];
	s6 =	sand.u32 $0x380, s5  }
.Ltmp0:
0x8: {  	_ =	strace $0x80000047;
	p0 =	sne.s32 s6, $0x0;
	(pc) =	sbr.rel .LBB1_1-.Ltmp0, $4  }
0x9: {  	s11 =	smov.u32 s2;
	s8 =	sshrl.u32 s5, $0xA;
	s7 =	simm.s32 @!p0 $0x0  }
0xa: {  	s5 =	sand.u32 $0x3, s0;
	s6 =	simm.s32 $0x1;
	s7 =	sadd.s32 s7, s8  }
0xb: {  	s12 =	smov.u32 s5;
	[sflag:s6] =	ssyncpa.u1 $0x0;
	s7 =	sshll.u32 s7, $0x4  }
0xc: {  	p0 =	por $0x0, $0x0;
	[sflag:s31] =	ssyncpa.u1 $0x0;
	s8 =	sor.u32 $0x1, s7  }
.LBB1_4:
0xd: {  	v5 =	vld [tilespmem:s19+$0xFFFFFFD0]  }
0xe: {  	[tilespmem:s20+$0x2040 ss:$0x81] =	vst.msk $0xffff, v1;
	v58 =	vld [tilespmem:s19+$0xFFFFFFE0]  }
0xf: {  	[tilespmem:s20+$0x2850 ss:$0x81] =	vst.msk $0xffff, v2;
	v59 =	vld [tilespmem:s19+$0xFFFFFFF0]  }
0x10: {  	s21 =	sshra.s32 s21, $0x2;
	[tilespmem:s20+$0x3060 ss:$0x81] =	vst.msk $0xffff, v3;
	v60 =	vld [tilespmem:s19+$0x0]  }
0x11: {  	[tilespmem:s20+$0x0 ss:$0x81] =	vst.msk $0xffff, v0;
	v61 =	vld [tilespmem:s19+$0x10];
	s18 =	sadd.s32 s21, s18  }
0x12: {  	s26 =	sshll.u32 s16, $0xB;
	v62 =	vld [tilespmem:s19+$0x20];
	[tilespmem:s18+$0x3870 ss:$0x81] =	vst.msk $0xffff, v4  }
0x13: {  	s27 =	sand.u32 $0x78, s14;
	s22 =	sshll.u32 s14, $0x3;
	v63 =	vld [tilespmem:s19+$0xFFFFFFC0];
	s29 =	sshll.u32 s16, $0x7;
	[tilespmem:s18+$0x810 ss:$0x81] =	vst.msk $0xffff, v5  }
0x14: {  	s15 =	sshll.u32 s15, $0x13;
	s20 =	sand.u32 $0x3FC000, s26;
	s28 =	sand.u32 $0x3FFC00, s22;
	[tilespmem:s18+$0x1020 ss:$0x81] =	vst.msk $0xffff, v58  }
0x15: {  	s31 =	sand.u32 $0x7, s14;
	s22 =	sand.u32 $0x400, s22;
	s19 =	sadd.s32 s28, s20;
	[tilespmem:s18+$0x1830 ss:$0x81] =	vst.msk $0xffff, v59  }
0x16: {  	s16 =	sand.u32 $0x380, s29;
	s30 =	sor.u32 s27, s22;
	s19 =	sshrl.u32 s19, $0x3;
	[tilespmem:s18+$0x2040 ss:$0x81] =	vst.msk $0xffff, v60  }
0x17: {  	s15 =	sadd.s32 s4, s15;
	s16 =	sor.u32 s16, s30;
	s19 =	sand.u32 $0x7FF00, s19;
	[tilespmem:s18+$0x2850 ss:$0x81] =	vst.msk $0xffff, v61  }
0x18: {  	s14 =	sshll.u32 s31, $0x12;
	s16 =	sshrl.u32 s16, $0x3;
	[tilespmem:s18+$0x3060 ss:$0x81] =	vst.msk $0xffff, v62;
	s15 =	sadd.s32 s19, s15  }
0x19: {  	s14 =	sor.u32 $0x400, s14;
	[tilespmem:s18+$0x0 ss:$0x81] =	vst.msk $0xffff, v63;
	s15 =	sadd.s32 s16, s15  }
0x1a: {  	[hbm4b:s15+s14] =	stream.strided.scatter [tilespmem:s17], [sflag:$0x2], $0x4000, s9, s14, $0x20;
	[tilespmem:$0x10100] =	vst v63  }
.LBB1_5:
0x1b: {  	s17 =	sadd.s32 $0x80, s10  }
0x1c: {  	s14 =	sadd.s32 $0x400, s11;
	s18 =	smov.u32 s11;
	p2 =	sgt.s32 s17, $0x7FF  }
0x1d: {  	s18 =	smov.u32 @p2 s14  }
0x1e: {  	s20 =	smov.u32 s12;
	s14 =	sadd.s32 $0x4, s12;
	p3 =	sgt.s32 s18, $0x7FF  }
0x1f: {  	s20 =	smov.u32 @p3 s14  }
0x20: {  	s17 =	simm.s32 @p2 $0x0;
	p2 =	sgt.s32 s20, $0x3  }
0x21: {  	p1 =	slt.u32 s13, $0x2;
	s20 =	smov.u32 @p2 s5;
	p2 =	sne.s32 s13, s8  }
.Ltmp1:
0x22: {  	s19 =	simm.s32 @!p1 $0x2;
	(pc) =	sbr.rel @!p2 .LBB1_6-.Ltmp1, $4  }
0x23: {  	s16 =	smov.u32 s10;
	s15 =	smov.u32 s12;
	_ =	swait.ge @!p1 [sflag:s19], $0x4000  }
0x24: {  	p0 =	por !p0, !p0;
	[sflag:s19] =	ssyncset.done @!p1 $0x0;
	s10 =	smov.u32 s17  }
0x25: {  	s18 =	smov.u32 @p3 s2;
	s14 =	smov.u32 s11;
	[sflag:s19] =	ssyncadd.s32 @!p1 $0xFFFFC000  }
0x26: {  	s11 =	smov.u32 s18;
	s13 =	sadd.s32 $0x1, s13;
	s12 =	smov.u32 s20  }
.LBB1_1:
0x27: {  	p1 =	sge.u32 s13, s7;
	s31 =	sadd.s32 $0xFFFFFFFF, s13  }
0x28: {  	s17 =	sxor.u32 @!p1 $0xFFFFFFFF, s13;
	s18 =	sand.u32 @!p1 $0x78, s10;
	s19 =	sshll.u32 @!p1 s11, $0xB  }
0x29: {  	s20 =	sshll.u32 @!p1 s11, $0x7;
	s21 =	sshll.u32 @!p1 s10, $0x3;
	s17 =	sshll.u32 @!p1 s17, $0xE  }
0x2a: {  	s19 =	sand.u32 @!p1 $0x3FC000, s19;
	s20 =	sand.u32 @!p1 $0x380, s20;
	s17 =	sand.u32 @!p1 $0x4000, s17  }
0x2b: {  	s19 =	sadd.s32 @!p1 s19, s21;
	s21 =	sand.u32 @!p1 $0x400, s21;
	s18 =	sor.u32 @!p1 s20, s18  }
0x2c: {  	s20 =	sshll.u32 @!p1 s12, $0x13;
	s18 =	sor.u32 @!p1 s21, s18;
	s19 =	sshrl.u32 @!p1 s19, $0x3  }
0x2d: {  	s20 =	sadd.s32 @!p1 s3, s20;
	s21 =	sand.u32 @!p1 $0x7, s10;
	s19 =	sand.u32 @!p1 $0x7FF00, s19  }
0x2e: {  	s18 =	sshrl.u32 @!p1 s18, $0x3;
	s19 =	sadd.s32 @!p1 s19, s20;
	s20 =	sshll.u32 @!p1 s21, $0x12  }
0x2f: {  	s18 =	sadd.s32 @!p1 s18, s19;
	s19 =	sor.u32 @!p1 $0x400, s20;
	s20 =	simm.s32 @!p1 $0x4000  }
0x30: {  	[tilespmem:s17], [sflag:$0x1] =	stream.strided.gather @!p1 [hbm4b:s18+s19], $0x4000, s20, s19, $0x38;
	[tilespmem:$0x10100] =	vst v63  }
0x31: {  	p1 =	sge.u32 s31, s7  }
.Ltmp2:
0x32: {  	_ = 	snop;
	(pc) =	sbr.rel @p1 .LBB1_5-.Ltmp2, $1  }
0x33: {  	_ =	sdelay $0x3  }
0x34: {  	s17 =	simm.s32 $0x1  }
0x35: {  	_ =	swait.ge [sflag:s6], $0x4000;
	s17 =	simm.s32 @!p0 $0x0  }
0x36: {  	[sflag:s6] =	ssyncset.done $0x0;
	s18 =	sshll.u32 s17, $0xE  }
0x37: {  	[sflag:s6] =	ssyncadd.s32 $0xFFFFC000;
	s19 =	sor.u32 $0x40, s18  }
0x38: {  	s17 =	smul.u32 $0x10200, s17;
	v0 =	vld [tilespmem:s19+$0x30]  }
0x39: {  	v3 =	vld [tilespmem:s19+$0xFFFFFFD0]  }
0x3a: {  	s17 =	sshrl.u32 s17, $0x2;
	v4 =	vld [tilespmem:s19+$0xFFFFFFE0]  }
0x3b: {  	v5 =	vld [tilespmem:s19+$0xFFFFFFF0];
	s18 =	sor.u32 $0x8000, s17  }
0x3c: {  	s31 =	sand.u32 $0x1, s13;
	v1 =	vld [tilespmem:s19+$0x0];
	s20 =	sadd.s32 $0x0, s18  }
0x3d: {  	v2 =	vld [tilespmem:s19+$0x10];
	s17 =	smul.u32 $0x10200, s31;
	[tilespmem:s20+$0x3870 ss:$0x81] =	vst.msk $0xffff, v0  }
0x3e: {  	[tilespmem:s20+$0x810 ss:$0x81] =	vst.msk $0xffff, v3;
	v3 =	vld [tilespmem:s19+$0x20]  }
0x3f: {  	s17 =	sshrl.u32 s17, $0x2;
	v0 =	vld [tilespmem:s19+$0xFFFFFFC0];
	[tilespmem:s20+$0x1020 ss:$0x81] =	vst.msk $0xffff, v4;
	s19 =	sadd.s32 $0x80, s19  }
0x40: {  	s21 =	simm.s32 $0x4;
	s22 =	simm.s32 $0x8;
	s17 =	sor.u32 $0x8000, s17;
	[tilespmem:s20+$0x1830 ss:$0x81] =	vst.msk $0xffff, v5;
	v4 =	vld [tilespmem:s19+$0x30]  }
.LBB1_3:
0x41: {  	p1 =	sne.s32 s22, $0x1FC;
	v5 =	vld [tilespmem:s19+$0xFFFFFFD0];
	[tilespmem:s20+$0x2040 ss:$0x81] =	vst.msk $0xffff, v1  }
0x42: {  	v6 =	vld [tilespmem:s19+$0xFFFFFFE0];
	[tilespmem:s20+$0x2850 ss:$0x81] =	vst.msk $0xffff, v2  }
0x43: {  	s23 =	sshra.s32 s21, $0x2;
	s21 =	smov.u32 s22;
	v7 =	vld [tilespmem:s19+$0xFFFFFFF0];
	[tilespmem:s20+$0x3060 ss:$0x81] =	vst.msk $0xffff, v3  }
.Ltmp3:
0x44: {  	v1 =	vld [tilespmem:s19+$0x0];
	[tilespmem:s20+$0x0 ss:$0x81] =	vst.msk $0xffff, v0;
	s20 =	sadd.s32 s23, s18;
	(pc) =	sbr.rel @p1 .LBB1_3-.Ltmp3, $4  }
0x45: {  	v2 =	vld [tilespmem:s19+$0x10];
	[tilespmem:s20+$0x3870 ss:$0x81] =	vst.msk $0xffff, v4  }
0x46: {  	[tilespmem:s20+$0x810 ss:$0x81] =	vst.msk $0xffff, v5;
	v3 =	vld [tilespmem:s19+$0x20]  }
0x47: {  	v0 =	vld [tilespmem:s19+$0xFFFFFFC0];
	[tilespmem:s20+$0x1020 ss:$0x81] =	vst.msk $0xffff, v6;
	s19 =	sadd.s32 $0x80, s19  }
0x48: {  	s22 =	sadd.s32 $0x4, s22;
	v4 =	vld [tilespmem:s19+$0x30];
	[tilespmem:s20+$0x1830 ss:$0x81] =	vst.msk $0xffff, v7  }
.Ltmp4:
0x49: {  	_ = 	snop;
	(pc) =	sbr.rel .LBB1_4-.Ltmp4, $1  }
0x4a: {  	_ =	sdelay $0x3  }
.LBB1_6:
0x4b: {  	_ =	sfence.sel $0x180000  }
0x4c: {  	s2 =	simm.s32 $0x1;
	[bflag:$0x0] =	sbarrier.arrive $0xFFFF  }
0x4d: {  	s31 =	simm.s32 $0x2;
	[sflag:s2] =	ssyncpa.u1 $0x1  }
0x4e: {  	[sflag:s31] =	ssyncpa.u1 $0x1  }
0x4f: {  	p0 =	sne.s32 s0, $0x0;
	_ =	strace $0x90000047  }
0x50: {  	s0 =	sadd.s32 @!p0 $0x100000, s1;
	[bflag:$0x2] =	sbarrier.arrive $0xFFFF  }
0x51: {  	[sflag:s0] =	ssyncadd.tile.s32 @!p0 $0x1;
	_ =	shalt  }
.Lfunc_end1:
_tile_overlayer_lowered:
.L_overlay_start_2:
0x52: {  	(tag) =	ssettag $0x2  }
0x53: {  	s0 =	rddreg [dreg:$0x0];
	s2 =	stileid.u32  }
0x54: {  	s1 =	rddreg [dreg:$0x1];
	p0 =	sne.s32 s2, $0x0  }
0x55: {  	s3 =	rddreg [dreg:$0x2];
	[bflag:$0x3] =	sbarrier.arrive $0xFFFF;
	s2 =	simm.s32 @!p0 $0x1C01  }
0x56: {  	[timem:s3], [sflag:s2] =	dma.local @!p0 [hbm:s0], s1  }
0x57: {  	s0 =	simm.s32 @!p0 $0x1  }
0x58: {  	_ =	swait.ge @!p0 [sflag:s0], s1  }
0x59: {  	s1 =	ssub.s32 @!p0 $0x0, s1;
	[sflag:s0] =	ssyncset.done @!p0 $0x0  }
0x5a: {  	[sflag:s0] =	ssyncadd.s32 @!p0 s1  }
0x5b: {  	[bflag:$0x3] =	sbarrier.arrive $0xFFFF  }
0x5c: {  	_ =	shalt  }

// kernel: sparse-core-data-format-call.cloned.1.call-start
scs
called_computation_lowered:
.L_overlay_start_0:
0x0: {  	s1 =	sld [smem:$0x3FD9]  }
0x1: {  	s2 =	sld [smem:$0x3FFE];
	_ =	sdelay $0x1  }
0x2: {  	s3 =	srdreg.scid  }
0x3: {  	s0 =	sand.u32 $0x1, s3  }
0x4: {  	s17 =	sshll.u32 s0, $0xA;
	s1 =	sadd.s32 s2, s1  }
0x5: {  	s1 =	sadd.s32 s1, s17  }
0x6: {  	[smem:$0x3FA9] =	sst s1  }
0x7: {  	_ = 	snop  }
0x8: {  	(tm) =	ssettm $0x1  }
0x9: {  	s18 =	sld [smem:$0x3FFB];
	_ =	sdelay $0x3  }
0xa: {  	_ =	strace s18  }
0xb: {  	s1 =	sld [smem:$0x3FFC];
	_ =	sdelay $0x3  }
0xc: {  	_ =	strace s1  }
0xd: {  	s1 =	sld [smem:$0x3FFD];
	_ =	sdelay $0x3  }
0xe: {  	_ =	strace s1  }
0xf: {  	_ =	strace $0x8FFFFFFF  }
0x10: {  	s19 =	sld [smem:$0x3FDB];
	_ =	sdelay $0x1  }
0x11: {  	s20 =	simm.s32 $_scs_section_size  }
0x12: {  	s4 =	simm.s32 $_size__tile_overlayer_lowered;
	s5 =	simm.s32 $_tile_overlayer_lowered  }
0x13: {  	s23 =	simm.s32 $0x1BFF;
	s22 =	sshll.u32 s5, $0x1;
	s1 =	sadd.s32 s20, s19  }
0x14: {  	s6 =	simm.s32 $0x0;
	s21 =	sshll.u32 s4, $0x1;
	s4 =	sadd.s32 s22, s1  }
0x15: {  	[timem:s6], [sflag:s23] =	dma.local [hbm:s4], s21  }
0x16: {  	_ =	swait.ge [sflag:s23], s21  }
0x17: {  	s2 =	ssub.s32 $0x0, s21;
	[sflag:s23] =	ssyncset.done $0x0  }
0x18: {  	[sflag:s23] =	ssyncadd.s32 s2;
	_ =	sdelay $0x1  }
0x19: {  	s24 =	simm.s32 $0x1B8B  }
0x1a: {  	_ =	swait.ge [sflag:s24], $0x1  }
0x1b: {  	[sflag:s24] =	ssyncset.done $0x0  }
0x1c: {  	s26 =	simm.s32 $0x1B8E;
	s25 =	sld [smem:$0x3FFE];
	[sflag:s24] =	ssyncadd.s32 $0xFFFFFFFF  }
0x1d: {  	s27 =	simm.s32 $execute0_lowered;
	[smem:$0x3FD2] =	sst s26  }
0x1e: {  	s4 =	sshll.u32 s27, $0x1;
	_ =	strace $0x80000061;
	[dreg:$0x1] =	wrdreg $0xFFFFFFFF  }
0x1f: {  	s28 =	simm.s32 $_size_execute0_lowered;
	s1 =	sadd.s32 s1, s4;
	[dreg:$0x0] =	wrdreg $0x0  }
0x20: {  	s4 =	sshll.u32 s28, $0x1;
	[dreg:$0x2] =	wrdreg s1  }
0x21: {  	[dreg:$0x3] =	wrdreg s4  }
0x22: {  	[dreg:$0x4] =	wrdreg $0xC0  }
0x23: {  	_ =	task [dreg:s6], $0x5FFFF  }
0x24: {  	[dreg:$0x1] =	wrdreg $0xFFFFFFFF  }
0x25: {  	[dreg:$0x0] =	wrdreg $0x60  }
0x26: {  	[dreg:$0x2] =	wrdreg s25  }
0x27: {  	[dreg:$0x3] =	wrdreg $0x9  }
0x28: {  	_ =	task.clear_ibuf [dreg:s6], $0x4FFFF;
	_ =	strace $0x90000061  }
0x29: {  	s29 =	simm.s32 $0x9;
	_ =	strace $0x80000063  }
0x2a: {  	_ =	swait.ge [sflag:s29], $0x1  }
0x2b: {  	[sflag:s29] =	ssyncadd.s32 $0xFFFFFFFF  }
0x2c: {  	_ =	strace $0x90000063  }
0x2d: {  	_ =	sfence  }
0x2e: {  	s30 =	sld [smem:$0x0];
	_ =	sdelay $0x2  }
0x2f: {  	s31 =	sshll.u32 s3, $0xD;
	s3 =	sshrl.u32 s3, $0x2  }
0x30: {  	s2 =	sand.u32 $0x4000, s31;
	s1 =	sadd.s32 s3, s30  }
0x31: {  	s0 =	sor.u32 s2, s0;
	s1 =	sshll.u32 s1, $0x11  }
0x32: {  	s0 =	sor.u32 s1, s0  }
0x33: {  	s0 =	sadd.s32 $0x8F2B, s0  }
0x34: {  	[sflag:s0] =	ssyncadd.remote.s32 $0x1  }
0x35: {  	_ =	sfence.sel $0xFFFF  }
0x36: {  	[dreg:$0x0] =	wrdreg $0xFFFFFFFF;
	(pc) =	sbr.abs _section_cstart, $3  }
0x37: {  	[dreg:$0x1] =	wrdreg $0xFFFFFFFF  }
0x38: {  	_ =	task.clear_ibuf [dreg:s6], $0x2FFFF;
	_ =	strace $0x9FFFFFFF  }
0x39: {  	(tm) =	ssettm $0x7FFFFFFF  }
tec
execute0_lowered:
.L_overlay_start_1:
0x0: {  	(tag) =	ssettag $0x1  }
0x1: {  	s0 =	stileid.u32;
	s1 =	srdreg.scid  }
0x2: {  	s4 =	rddreg [dreg:$0x0];
	s7 =	simm.s32 $0x1;
	s31 =	simm.s32 $0x2  }
0x3: {  	s16 =	simm.s32 $0x0;
	s2 =	sshll.u32 s0, $0x5;
	s1 =	sshll.u32 s1, $0x9  }
0x4: {  	s9 =	simm.s32 $0x4000;
	s14 =	simm.s32 $0x0;
	s1 =	sor.u32 s2, s1  }
0x5: {  	s15 =	simm.s32 $0x0;
	s10 =	simm.s32 $0x0;
	s2 =	sand.u32 $0x380, s1  }
0x6: {  	s13 =	simm.s32 $0x0;
	s3 =	sadd.s32 $0x222000, s4;
	s5 =	ssub.s32 $0x800, s2  }
0x7: {  	s4 =	sadd.s32 $0x422000, s4;
	s1 =	rddreg [dreg:$0x1];
	s6 =	sand.u32 $0x380, s5  }
.Ltmp0:
0x8: {  	_ =	strace $0x80000062;
	p0 =	sne.s32 s6, $0x0;
	(pc) =	sbr.rel .LBB1_1-.Ltmp0, $4  }
0x9: {  	s11 =	smov.u32 s2;
	s8 =	sshrl.u32 s5, $0xA;
	s7 =	simm.s32 @!p0 $0x0  }
0xa: {  	s5 =	sand.u32 $0x3, s0;
	s6 =	simm.s32 $0x1;
	s7 =	sadd.s32 s7, s8  }
0xb: {  	s12 =	smov.u32 s5;
	[sflag:s6] =	ssyncpa.u1 $0x0;
	s7 =	sshll.u32 s7, $0x4  }
0xc: {  	p0 =	por $0x0, $0x0;
	[sflag:s31] =	ssyncpa.u1 $0x0;
	s8 =	sor.u32 $0x1, s7  }
.LBB1_4:
0xd: {  	v5 =	vld [tilespmem:s19+$0xFFFFFFD0]  }
0xe: {  	[tilespmem:s20+$0x2040 ss:$0x81] =	vst.msk $0xffff, v1;
	v58 =	vld [tilespmem:s19+$0xFFFFFFE0]  }
0xf: {  	[tilespmem:s20+$0x2850 ss:$0x81] =	vst.msk $0xffff, v2;
	v59 =	vld [tilespmem:s19+$0xFFFFFFF0]  }
0x10: {  	s21 =	sshra.s32 s21, $0x2;
	[tilespmem:s20+$0x3060 ss:$0x81] =	vst.msk $0xffff, v3;
	v60 =	vld [tilespmem:s19+$0x0]  }
0x11: {  	[tilespmem:s20+$0x0 ss:$0x81] =	vst.msk $0xffff, v0;
	v61 =	vld [tilespmem:s19+$0x10];
	s18 =	sadd.s32 s21, s18  }
0x12: {  	s26 =	sshll.u32 s16, $0xB;
	v62 =	vld [tilespmem:s19+$0x20];
	[tilespmem:s18+$0x3870 ss:$0x81] =	vst.msk $0xffff, v4  }
0x13: {  	s27 =	sand.u32 $0x78, s14;
	s22 =	sshll.u32 s14, $0x3;
	v63 =	vld [tilespmem:s19+$0xFFFFFFC0];
	s29 =	sshll.u32 s16, $0x7;
	[tilespmem:s18+$0x810 ss:$0x81] =	vst.msk $0xffff, v5  }
0x14: {  	s15 =	sshll.u32 s15, $0x13;
	s20 =	sand.u32 $0x3FC000, s26;
	s28 =	sand.u32 $0x3FFC00, s22;
	[tilespmem:s18+$0x1020 ss:$0x81] =	vst.msk $0xffff, v58  }
0x15: {  	s31 =	sand.u32 $0x7, s14;
	s22 =	sand.u32 $0x400, s22;
	s19 =	sadd.s32 s28, s20;
	[tilespmem:s18+$0x1830 ss:$0x81] =	vst.msk $0xffff, v59  }
0x16: {  	s16 =	sand.u32 $0x380, s29;
	s30 =	sor.u32 s27, s22;
	s19 =	sshrl.u32 s19, $0x3;
	[tilespmem:s18+$0x2040 ss:$0x81] =	vst.msk $0xffff, v60  }
0x17: {  	s15 =	sadd.s32 s4, s15;
	s16 =	sor.u32 s16, s30;
	s19 =	sand.u32 $0x7FF00, s19;
	[tilespmem:s18+$0x2850 ss:$0x81] =	vst.msk $0xffff, v61  }
0x18: {  	s14 =	sshll.u32 s31, $0x12;
	s16 =	sshrl.u32 s16, $0x3;
	[tilespmem:s18+$0x3060 ss:$0x81] =	vst.msk $0xffff, v62;
	s15 =	sadd.s32 s19, s15  }
0x19: {  	s14 =	sor.u32 $0x400, s14;
	[tilespmem:s18+$0x0 ss:$0x81] =	vst.msk $0xffff, v63;
	s15 =	sadd.s32 s16, s15  }
0x1a: {  	[hbm4b:s15+s14] =	stream.strided.scatter [tilespmem:s17], [sflag:$0x2], $0x4000, s9, s14, $0x20;
	[tilespmem:$0x10100] =	vst v63  }
.LBB1_5:
0x1b: {  	s17 =	sadd.s32 $0x80, s10  }
0x1c: {  	s14 =	sadd.s32 $0x400, s11;
	s18 =	smov.u32 s11;
	p2 =	sgt.s32 s17, $0x7FF  }
0x1d: {  	s18 =	smov.u32 @p2 s14  }
0x1e: {  	s20 =	smov.u32 s12;
	s14 =	sadd.s32 $0x4, s12;
	p3 =	sgt.s32 s18, $0x7FF  }
0x1f: {  	s20 =	smov.u32 @p3 s14  }
0x20: {  	s17 =	simm.s32 @p2 $0x0;
	p2 =	sgt.s32 s20, $0x3  }
0x21: {  	p1 =	slt.u32 s13, $0x2;
	s20 =	smov.u32 @p2 s5;
	p2 =	sne.s32 s13, s8  }
.Ltmp1:
0x22: {  	s19 =	simm.s32 @!p1 $0x2;
	(pc) =	sbr.rel @!p2 .LBB1_6-.Ltmp1, $4  }
0x23: {  	s16 =	smov.u32 s10;
	s15 =	smov.u32 s12;
	_ =	swait.ge @!p1 [sflag:s19], $0x4000  }
0x24: {  	p0 =	por !p0, !p0;
	[sflag:s19] =	ssyncset.done @!p1 $0x0;
	s10 =	smov.u32 s17  }
0x25: {  	s18 =	smov.u32 @p3 s2;
	s14 =	smov.u32 s11;
	[sflag:s19] =	ssyncadd.s32 @!p1 $0xFFFFC000  }
0x26: {  	s11 =	smov.u32 s18;
	s13 =	sadd.s32 $0x1, s13;
	s12 =	smov.u32 s20  }
.LBB1_1:
0x27: {  	p1 =	sge.u32 s13, s7;
	s31 =	sadd.s32 $0xFFFFFFFF, s13  }
0x28: {  	s17 =	sxor.u32 @!p1 $0xFFFFFFFF, s13;
	s18 =	sand.u32 @!p1 $0x78, s10;
	s19 =	sshll.u32 @!p1 s11, $0xB  }
0x29: {  	s20 =	sshll.u32 @!p1 s11, $0x7;
	s21 =	sshll.u32 @!p1 s10, $0x3;
	s17 =	sshll.u32 @!p1 s17, $0xE  }
0x2a: {  	s19 =	sand.u32 @!p1 $0x3FC000, s19;
	s20 =	sand.u32 @!p1 $0x380, s20;
	s17 =	sand.u32 @!p1 $0x4000, s17  }
0x2b: {  	s19 =	sadd.s32 @!p1 s19, s21;
	s21 =	sand.u32 @!p1 $0x400, s21;
	s18 =	sor.u32 @!p1 s20, s18  }
0x2c: {  	s20 =	sshll.u32 @!p1 s12, $0x13;
	s18 =	sor.u32 @!p1 s21, s18;
	s19 =	sshrl.u32 @!p1 s19, $0x3  }
0x2d: {  	s20 =	sadd.s32 @!p1 s3, s20;
	s21 =	sand.u32 @!p1 $0x7, s10;
	s19 =	sand.u32 @!p1 $0x7FF00, s19  }
0x2e: {  	s18 =	sshrl.u32 @!p1 s18, $0x3;
	s19 =	sadd.s32 @!p1 s19, s20;
	s20 =	sshll.u32 @!p1 s21, $0x12  }
0x2f: {  	s18 =	sadd.s32 @!p1 s18, s19;
	s19 =	sor.u32 @!p1 $0x400, s20;
	s20 =	simm.s32 @!p1 $0x4000  }
0x30: {  	[tilespmem:s17], [sflag:$0x1] =	stream.strided.gather @!p1 [hbm4b:s18+s19], $0x4000, s20, s19, $0x38;
	[tilespmem:$0x10100] =	vst v63  }
0x31: {  	p1 =	sge.u32 s31, s7  }
.Ltmp2:
0x32: {  	_ = 	snop;
	(pc) =	sbr.rel @p1 .LBB1_5-.Ltmp2, $1  }
0x33: {  	_ =	sdelay $0x3  }
0x34: {  	s17 =	simm.s32 $0x1  }
0x35: {  	_ =	swait.ge [sflag:s6], $0x4000;
	s17 =	simm.s32 @!p0 $0x0  }
0x36: {  	[sflag:s6] =	ssyncset.done $0x0;
	s18 =	sshll.u32 s17, $0xE  }
0x37: {  	[sflag:s6] =	ssyncadd.s32 $0xFFFFC000;
	s19 =	sor.u32 $0x40, s18  }
0x38: {  	s17 =	smul.u32 $0x10200, s17;
	v0 =	vld [tilespmem:s19+$0x30]  }
0x39: {  	v3 =	vld [tilespmem:s19+$0xFFFFFFD0]  }
0x3a: {  	s17 =	sshrl.u32 s17, $0x2;
	v4 =	vld [tilespmem:s19+$0xFFFFFFE0]  }
0x3b: {  	v5 =	vld [tilespmem:s19+$0xFFFFFFF0];
	s18 =	sor.u32 $0x8000, s17  }
0x3c: {  	s31 =	sand.u32 $0x1, s13;
	v1 =	vld [tilespmem:s19+$0x0];
	s20 =	sadd.s32 $0x0, s18  }
0x3d: {  	v2 =	vld [tilespmem:s19+$0x10];
	s17 =	smul.u32 $0x10200, s31;
	[tilespmem:s20+$0x3870 ss:$0x81] =	vst.msk $0xffff, v0  }
0x3e: {  	[tilespmem:s20+$0x810 ss:$0x81] =	vst.msk $0xffff, v3;
	v3 =	vld [tilespmem:s19+$0x20]  }
0x3f: {  	s17 =	sshrl.u32 s17, $0x2;
	v0 =	vld [tilespmem:s19+$0xFFFFFFC0];
	[tilespmem:s20+$0x1020 ss:$0x81] =	vst.msk $0xffff, v4;
	s19 =	sadd.s32 $0x80, s19  }
0x40: {  	s21 =	simm.s32 $0x4;
	s22 =	simm.s32 $0x8;
	s17 =	sor.u32 $0x8000, s17;
	[tilespmem:s20+$0x1830 ss:$0x81] =	vst.msk $0xffff, v5;
	v4 =	vld [tilespmem:s19+$0x30]  }
.LBB1_3:
0x41: {  	p1 =	sne.s32 s22, $0x1FC;
	v5 =	vld [tilespmem:s19+$0xFFFFFFD0];
	[tilespmem:s20+$0x2040 ss:$0x81] =	vst.msk $0xffff, v1  }
0x42: {  	v6 =	vld [tilespmem:s19+$0xFFFFFFE0];
	[tilespmem:s20+$0x2850 ss:$0x81] =	vst.msk $0xffff, v2  }
0x43: {  	s23 =	sshra.s32 s21, $0x2;
	s21 =	smov.u32 s22;
	v7 =	vld [tilespmem:s19+$0xFFFFFFF0];
	[tilespmem:s20+$0x3060 ss:$0x81] =	vst.msk $0xffff, v3  }
.Ltmp3:
0x44: {  	v1 =	vld [tilespmem:s19+$0x0];
	[tilespmem:s20+$0x0 ss:$0x81] =	vst.msk $0xffff, v0;
	s20 =	sadd.s32 s23, s18;
	(pc) =	sbr.rel @p1 .LBB1_3-.Ltmp3, $4  }
0x45: {  	v2 =	vld [tilespmem:s19+$0x10];
	[tilespmem:s20+$0x3870 ss:$0x81] =	vst.msk $0xffff, v4  }
0x46: {  	[tilespmem:s20+$0x810 ss:$0x81] =	vst.msk $0xffff, v5;
	v3 =	vld [tilespmem:s19+$0x20]  }
0x47: {  	v0 =	vld [tilespmem:s19+$0xFFFFFFC0];
	[tilespmem:s20+$0x1020 ss:$0x81] =	vst.msk $0xffff, v6;
	s19 =	sadd.s32 $0x80, s19  }
0x48: {  	s22 =	sadd.s32 $0x4, s22;
	v4 =	vld [tilespmem:s19+$0x30];
	[tilespmem:s20+$0x1830 ss:$0x81] =	vst.msk $0xffff, v7  }
.Ltmp4:
0x49: {  	_ = 	snop;
	(pc) =	sbr.rel .LBB1_4-.Ltmp4, $1  }
0x4a: {  	_ =	sdelay $0x3  }
.LBB1_6:
0x4b: {  	_ =	sfence.sel $0x180000  }
0x4c: {  	s2 =	simm.s32 $0x1;
	[bflag:$0x0] =	sbarrier.arrive $0xFFFF  }
0x4d: {  	s31 =	simm.s32 $0x2;
	[sflag:s2] =	ssyncpa.u1 $0x1  }
0x4e: {  	[sflag:s31] =	ssyncpa.u1 $0x1  }
0x4f: {  	p0 =	sne.s32 s0, $0x0;
	_ =	strace $0x90000062  }
0x50: {  	s0 =	sadd.s32 @!p0 $0x100000, s1;
	[bflag:$0x2] =	sbarrier.arrive $0xFFFF  }
0x51: {  	[sflag:s0] =	ssyncadd.tile.s32 @!p0 $0x1;
	_ =	shalt  }
.Lfunc_end1:
_tile_overlayer_lowered:
.L_overlay_start_2:
0x52: {  	(tag) =	ssettag $0x2  }
0x53: {  	s0 =	rddreg [dreg:$0x0];
	s2 =	stileid.u32  }
0x54: {  	s1 =	rddreg [dreg:$0x1];
	p0 =	sne.s32 s2, $0x0  }
0x55: {  	s3 =	rddreg [dreg:$0x2];
	[bflag:$0x3] =	sbarrier.arrive $0xFFFF;
	s2 =	simm.s32 @!p0 $0x1C01  }
0x56: {  	[timem:s3], [sflag:s2] =	dma.local @!p0 [hbm:s0], s1  }
0x57: {  	s0 =	simm.s32 @!p0 $0x1  }
0x58: {  	_ =	swait.ge @!p0 [sflag:s0], s1  }
0x59: {  	s1 =	ssub.s32 @!p0 $0x0, s1;
	[sflag:s0] =	ssyncset.done @!p0 $0x0  }
0x5a: {  	[sflag:s0] =	ssyncadd.s32 @!p0 s1  }
0x5b: {  	[bflag:$0x3] =	sbarrier.arrive $0xFFFF  }
0x5c: {  	_ =	shalt  }

</sc_bundles>
